<compile_context>
chip_gen: v7x
topology: tpu7x:2x2x1
jax: 0.10.2.dev20260603
libtpu: 0.0.44.dev20260713+nightly
codegen_flags: <defaults>
</compile_context>

<pallas_src>
import functools

import jax
import jax.numpy as jnp
from jax import lax
from jax.experimental import pallas as pl
from jax.experimental.pallas import tpu as pltpu
from jax.experimental.pallas import tpu_sc as plsc

N = 2048
D = 256
CUT2 = 25.0
NC = 2
NS = 16
NW = NC * NS
ROWS_W = N // NW
CAP_W = 2048
E_CAP = NW * CAP_W
CHUNK = 128


@functools.lru_cache(maxsize=1)
def _sc_kernels():
    mesh = plsc.VectorSubcoreMesh(core_axis_name="c", subcore_axis_name="s",
                                  num_cores=NC, num_subcores=NS)
    cp = pltpu.CompilerParams(needs_layout_passes=False)

    def _wid():
        return lax.axis_index("s") * NC + lax.axis_index("c")

    @functools.partial(
        pl.kernel,
        out_type=(
            (jax.ShapeDtypeStruct((E_CAP,), jnp.int32),) * 2
            + (jax.ShapeDtypeStruct((E_CAP,), jnp.float32),) * 8
        ),
        mesh=mesh,
        compiler_params=cp,
        scratch_types=(
            [pltpu.VMEM((N,), jnp.float32) for _ in range(6)]
            + [pltpu.VMEM((CAP_W + 16,), jnp.int32) for _ in range(2)]
            + [pltpu.VMEM((CAP_W + 16,), jnp.float32) for _ in range(8)]
            + [pltpu.SemaphoreType.DMA]
        ),
    )
    def _edge_build(pv_hbm, src_o, dst_o, f0_o, f1_o, f2_o, f3_o, f4_o, f5_o,
                    f6_o, f7_o, px, py, pz, vx, vy, vz, srcb, dstb,
                    b0, b1, b2, b3, b4, b5, b6, b7, sem):
        w = _wid()
        for k, ref in enumerate((px, py, pz, vx, vy, vz)):
            pltpu.sync_copy(pv_hbm.at[k], ref)

        zi = jnp.zeros((16,), jnp.int32)
        zf = jnp.zeros((16,), jnp.float32)

        def zbody(k, _):
            s = pl.ds(k * 16, 16)
            srcb[s] = zi
            dstb[s] = zi
            for ref in (b0, b1, b2, b3, b4, b5, b6, b7):
                ref[s] = zf
            return 0

        lax.fori_loop(0, (CAP_W + 16) // 16, zbody, 0)

        iota = lax.iota(jnp.int32, 16)
        ones = jnp.ones((16,), jnp.float32)
        base = w * ROWS_W

        def row_body(r, wp):
            j = base + r
            ii = jnp.full((16,), j, jnp.int32)
            pxi = plsc.load_gather(px, [ii])
            pyi = plsc.load_gather(py, [ii])
            pzi = plsc.load_gather(pz, [ii])

            def grp_body(g, wp):
                j0 = g * 16
                s = pl.ds(j0, 16)
                dx = pxi - px[s]
                dy = pyi - py[s]
                dz = pzi - pz[s]
                d2 = dx * dx + dy * dy + dz * dz
                jvec = j0 + iota
                m = (d2 < CUT2) & (jvec != ii)
                cnt = jnp.max(plsc.all_reduce_population_count(m))
                ok = (cnt > 0) & (wp <= CAP_W - 16)

                @pl.when(ok)
                def _():
                    vxi = plsc.load_gather(vx, [ii])
                    vyi = plsc.load_gather(vy, [ii])
                    vzi = plsc.load_gather(vz, [ii])
                    dvx = vxi - vx[s]
                    dvy = vyi - vy[s]
                    dvz = vzi - vz[s]
                    t = pl.ds(wp, 16)
                    plsc.store_compressed(srcb.at[t], jvec, mask=m)
                    plsc.store_compressed(dstb.at[t], ii, mask=m)
                    plsc.store_compressed(b0.at[t], dx, mask=m)
                    plsc.store_compressed(b1.at[t], dy, mask=m)
                    plsc.store_compressed(b2.at[t], dz, mask=m)
                    plsc.store_compressed(b3.at[t], d2, mask=m)
                    plsc.store_compressed(b4.at[t], dvx, mask=m)
                    plsc.store_compressed(b5.at[t], dvy, mask=m)
                    plsc.store_compressed(b6.at[t], dvz, mask=m)
                    plsc.store_compressed(b7.at[t], ones, mask=m)

                return wp + jnp.where(ok, cnt, 0)

            return lax.fori_loop(0, N // 16, grp_body, wp)

        lax.fori_loop(0, ROWS_W, row_body, jnp.int32(0))

        seg = pl.ds(w * CAP_W, CAP_W)
        head = pl.ds(0, CAP_W)
        pltpu.sync_copy(srcb.at[head], src_o.at[seg])
        pltpu.sync_copy(dstb.at[head], dst_o.at[seg])
        for buf, out in ((b0, f0_o), (b1, f1_o), (b2, f2_o), (b3, f3_o),
                         (b4, f4_o), (b5, f5_o), (b6, f6_o), (b7, f7_o)):
            pltpu.sync_copy(buf.at[head], out.at[seg])

    return (_edge_build,)


def _ln(y, g, b):
    mu = jnp.mean(y, axis=-1, keepdims=True)
    var = jnp.mean((y - mu) ** 2, axis=-1, keepdims=True)
    return (y - mu) * lax.rsqrt(var + 1e-5) * g + b


def _dot(a, b):
    return jnp.dot(a, b, preferred_element_type=jnp.float32)


def _full(shape):
    return pl.BlockSpec(shape, lambda *_: (0,) * len(shape))


def _enc_body(nf, w1, b1, w2, b2, g, be, o):
    h = jnp.maximum(_dot(nf[...], w1[...]) + b1[...], 0.0)
    o[...] = _ln(_dot(h, w2[...]) + b2[...], g[...], be[...])


def _eenc_body(f, w1, b1, w2, b2, g, be, o):
    ff = f[...]
    col = lax.broadcasted_iota(jnp.int32, ff.shape, 1)
    ff = jnp.where(col == 3, jnp.sqrt(jnp.maximum(ff, 0.0)), ff)
    h = jnp.maximum(_dot(ff, w1[...]) + b1[...], 0.0)
    o[...] = _ln(_dot(h, w2[...]) + b2[...], g[...], be[...])


def _uv_body(x, wj, wi, u, v):
    u[...] = _dot(x[...], wj[...])
    v[...] = _dot(x[...], wi[...])


EB = CAP_W // 2


def _emsg_body(aref, vld, dcol, scol, uref, vref, w1e, b1, w2, b2, gm, be, o):
    w = pl.program_id(0)
    jb = pl.program_id(1)
    ld = dcol[...] - w * ROWS_W
    cols = lax.broadcasted_iota(jnp.int32, (EB, ROWS_W), 1)
    ohd = (ld == cols).astype(jnp.float32)
    uterm = _dot(ohd, uref[...])
    colsn = lax.broadcasted_iota(jnp.int32, (EB, N), 1)
    ohs = (scol[...] == colsn).astype(jnp.float32)
    vterm = _dot(ohs, vref[...])
    h = jnp.maximum(_dot(aref[...], w1e[...]) + uterm + vterm + b1[...], 0.0)
    y = _dot(h, w2[...]) + b2[...]
    m = _ln(y, gm[...], be[...]) * vld[...]
    agg = lax.dot_general(ohd, m, (((0,), (0,)), ((), ())),
                          preferred_element_type=jnp.float32)

    @pl.when(jb == 0)
    def _():
        o[...] = jnp.zeros_like(o)

    o[...] += agg[None]


def _node_body(x, a2, w1x, w1a, b1, w2, b2, g, be, o):
    h = jnp.maximum(_dot(x[...], w1x[...]) + _dot(a2[...], w1a[...]) + b1[...],
                    0.0)
    y = _dot(h, w2[...]) + b2[...]
    o[...] = x[...] + _ln(y, g[...], be[...])


def _dec_body(x, w1, b1, w2, b2, o):
    h = jnp.maximum(_dot(x[...], w1[...]) + b1[...], 0.0)
    o[...] = _dot(h, w2[...]) + b2[...]


def _r2(a):
    return a.reshape(1, -1)


@jax.jit
def kernel(pos, vel, mass, params):
    f32 = jnp.float32
    pos = pos.astype(f32)
    vel = vel.astype(f32)
    mass = mass.astype(f32)
    edge_build, = _sc_kernels()

    pv = jnp.concatenate([pos.T, vel.T], axis=0)
    src, dst, dx, dy, dz, d2, dvx, dvy, dvz, valid = edge_build(pv)
    feat = jnp.stack([dx, dy, dz, d2, dvx, dvy, dvz,
                      jnp.zeros_like(dx)], axis=-1)
    valid2 = valid[:, None]
    dst_col = dst.reshape(E_CAP, 1)
    src_col = src.reshape(E_CAP, 1)

    pe = params["node_enc"]
    nf = jnp.concatenate([vel, mass, jnp.zeros((N, 4), f32)], axis=-1)
    w1 = jnp.concatenate([pe["l1"]["W"], jnp.zeros((4, D), f32)], axis=0)
    x = pl.pallas_call(
        _enc_body,
        out_shape=jax.ShapeDtypeStruct((N, D), f32),
        in_specs=[_full((N, 8)), _full((8, D)), _full((1, D)), _full((D, D)),
                  _full((1, D)), _full((1, D)), _full((1, D))],
        out_specs=_full((N, D)),
    )(nf, w1, _r2(pe["l1"]["b"]), pe["l2"]["W"], _r2(pe["l2"]["b"]),
      _r2(pe["g"]), _r2(pe["be"]))

    ee = params["edge_enc"]
    TE = 4096
    ew1 = jnp.concatenate([ee["l1"]["W"], jnp.zeros((1, D), f32)], axis=0)
    edge_attr = pl.pallas_call(
        _eenc_body,
        grid=(E_CAP // TE,),
        out_shape=jax.ShapeDtypeStruct((E_CAP, D), f32),
        in_specs=[pl.BlockSpec((TE, 8), lambda i: (i, 0)), _full((8, D)),
                  _full((1, D)), _full((D, D)), _full((1, D)), _full((1, D)),
                  _full((1, D))],
        out_specs=pl.BlockSpec((TE, D), lambda i: (i, 0)),
    )(feat, ew1, _r2(ee["l1"]["b"]), ee["l2"]["W"], _r2(ee["l2"]["b"]),
      _r2(ee["g"]), _r2(ee["be"]))

    for lp in params["layers"]:
        w1 = lp["edge"]["l1"]["W"]
        w1j, w1i, w1e = w1[:D], w1[D:2 * D], w1[2 * D:]

        u, v = pl.pallas_call(
            _uv_body,
            out_shape=(jax.ShapeDtypeStruct((N, D), f32),) * 2,
            in_specs=[_full((N, D)), _full((D, D)), _full((D, D))],
            out_specs=(_full((N, D)),) * 2,
        )(x, w1j, w1i)

        nsb = CAP_W // EB
        agg = pl.pallas_call(
            _emsg_body,
            grid=(NW, nsb),
            out_shape=jax.ShapeDtypeStruct((NW, ROWS_W, D), f32),
            in_specs=[pl.BlockSpec((EB, D), lambda i, j: (i * nsb + j, 0)),
                      pl.BlockSpec((EB, 1), lambda i, j: (i * nsb + j, 0)),
                      pl.BlockSpec((EB, 1), lambda i, j: (i * nsb + j, 0)),
                      pl.BlockSpec((EB, 1), lambda i, j: (i * nsb + j, 0)),
                      pl.BlockSpec((ROWS_W, D), lambda i, j: (i, 0)),
                      pl.BlockSpec((N, D), lambda i, j: (0, 0)),
                      pl.BlockSpec((D, D), lambda i, j: (0, 0)),
                      pl.BlockSpec((1, D), lambda i, j: (0, 0)),
                      pl.BlockSpec((D, D), lambda i, j: (0, 0)),
                      pl.BlockSpec((1, D), lambda i, j: (0, 0)),
                      pl.BlockSpec((1, D), lambda i, j: (0, 0)),
                      pl.BlockSpec((1, D), lambda i, j: (0, 0))],
            out_specs=pl.BlockSpec((1, ROWS_W, D), lambda i, j: (i, 0, 0)),
            compiler_params=pltpu.CompilerParams(
                vmem_limit_bytes=100 * 1024 * 1024),
        )(edge_attr, valid2, dst_col, src_col, u, v,
          w1e, _r2(lp["edge"]["l1"]["b"]),
          lp["edge"]["l2"]["W"], _r2(lp["edge"]["l2"]["b"]),
          _r2(lp["edge"]["g"]), _r2(lp["edge"]["be"])).reshape(N, D)

        wn1 = lp["node"]["l1"]["W"]
        x = pl.pallas_call(
            _node_body,
            out_shape=jax.ShapeDtypeStruct((N, D), f32),
            in_specs=[_full((N, D)), _full((N, D)),
                      _full((D, D)), _full((D, D)), _full((1, D)),
                      _full((D, D)), _full((1, D)), _full((1, D)),
                      _full((1, D))],
            out_specs=_full((N, D)),
        )(x, agg, wn1[:D], wn1[D:], _r2(lp["node"]["l1"]["b"]),
          lp["node"]["l2"]["W"], _r2(lp["node"]["l2"]["b"]),
          _r2(lp["node"]["g"]), _r2(lp["node"]["be"]))

    dec = params["dec"]
    w2p = jnp.concatenate([dec["l2"]["W"], jnp.zeros((D, 125), f32)], axis=1)
    b2p = jnp.concatenate([dec["l2"]["b"], jnp.zeros((125,), f32)])
    y = pl.pallas_call(
        _dec_body,
        out_shape=jax.ShapeDtypeStruct((N, 128), f32),
        in_specs=[_full((N, D)), _full((D, D)), _full((1, D)),
                  _full((D, 128)), _full((1, 128))],
        out_specs=_full((N, 128)),
    )(x, dec["l1"]["W"], _r2(dec["l1"]["b"]), w2p, _r2(b2p))
    return y[:, :3]

# --- scband reference (transcript-rebuilt; emitter-appended) ---
"""Pipeline reference for scband-nbody-gnn-80805514707529 (READ-ONLY COPY).

The authoritative reference and input builder live on the scoring server;
editing this copy changes nothing except your own understanding.
"""

import jax, jax.numpy as jnp
import numpy as np

LATENT = 256
NUM_LAYERS = 3
CUTOFF = 5.0
N = 2048
BOX = 40.0


def _lin(key, din, dout):
    W = jax.random.normal(key, (din, dout), dtype=jnp.float32) / np.sqrt(din)
    b = jnp.zeros((dout,), jnp.float32)
    return {"W": W, "b": b}


def _mlp_params(key, din, dout, hidden):
    k1, k2 = jax.random.split(key)
    return {"l1": _lin(k1, din, hidden), "l2": _lin(k2, hidden, dout),
            "g": jnp.ones((dout,), jnp.float32), "be": jnp.zeros((dout,), jnp.float32)}


def setup_inputs(seed: int = 0) -> dict:
    key = jax.random.key(seed)
    ks = jax.random.split(key, 16)
    pos = jax.random.uniform(ks[0], (N, 3), dtype=jnp.float32) * BOX
    vel = jax.random.normal(ks[1], (N, 3), dtype=jnp.float32)
    mass = jax.random.uniform(ks[2], (N, 1), dtype=jnp.float32) + 0.5
    params = {
        "node_enc": _mlp_params(ks[3], 4, LATENT, LATENT),
        "edge_enc": _mlp_params(ks[4], 7, LATENT, LATENT),
        "layers": [],
        "dec": {"l1": _lin(ks[5], LATENT, LATENT), "l2": _lin(ks[6], LATENT, 3)},
    }
    for i in range(NUM_LAYERS):
        ke, kn = jax.random.split(ks[7 + i])
        params["layers"].append({
            "edge": _mlp_params(ke, 3 * LATENT, LATENT, LATENT),
            "node": _mlp_params(kn, 2 * LATENT, LATENT, LATENT),
        })
    return {"pos": pos, "vel": vel, "mass": mass, "params": params}


def _layernorm(x, g, b):
    mu = jnp.mean(x, axis=-1, keepdims=True)
    var = jnp.mean((x - mu) ** 2, axis=-1, keepdims=True)
    return (x - mu) / jnp.sqrt(var + 1e-5) * g + b


def _mlp(x, p):
    h = jax.nn.relu(x @ p["l1"]["W"] + p["l1"]["b"])
    h = h @ p["l2"]["W"] + p["l2"]["b"]
    return _layernorm(h, p["g"], p["be"])


def _radius_mask(pos, r):
    # brute-force radius graph: all ordered pairs (i != j) with dist < r
    diff = pos[:, None, :] - pos[None, :, :]
    d2 = jnp.sum(diff * diff, axis=-1)
    n = pos.shape[0]
    return (d2 < r * r) & (~jnp.eye(n, dtype=bool))


def _forward(pos, vel, mass, params, mask):
    n = pos.shape[0]
    B = 256 if n % 256 == 0 else 1
    nblocks = n // B
    node_feat = jnp.concatenate([vel, mass], axis=-1)
    x = _mlp(node_feat, params["node_enc"])
    for lp in params["layers"]:
        # PyG MessagePassing default flow source_to_target: x_j = x[row], x_i = x[col], aggregate at col
        def body(b, agg, x=x, lp=lp):
            i0 = b * B
            p_i = jax.lax.dynamic_slice_in_dim(pos, i0, B)
            v_i = jax.lax.dynamic_slice_in_dim(vel, i0, B)
            rel_pos = pos[None, :, :] - p_i[:, None, :]
            dist = jnp.linalg.norm(rel_pos, axis=-1, keepdims=True)
            rel_vel = vel[None, :, :] - v_i[:, None, :]
            edge_feat = jnp.concatenate([rel_pos, dist, rel_vel], axis=-1)
            edge_attr = _mlp(edge_feat, params["edge_enc"])
            x_i = jax.lax.dynamic_slice_in_dim(x, i0, B)
            msg_in = jnp.concatenate([
                jnp.broadcast_to(x[None, :, :], (B, n, x.shape[-1])),
                jnp.broadcast_to(x_i[:, None, :], (B, n, x.shape[-1])),
                edge_attr,
            ], axis=-1)
            m = _mlp(msg_in, lp["edge"])
            mask_b = jax.lax.dynamic_slice_in_dim(mask, i0, B)
            return agg + jnp.sum(jnp.where(mask_b[:, :, None], m, 0.0), axis=0)
        agg = jax.lax.fori_loop(0, nblocks, body, jnp.zeros((n, x.shape[-1]), x.dtype))
        out = _mlp(jnp.concatenate([x, agg], axis=-1), lp["node"])
        x = x + out
    h = jax.nn.relu(x @ params["dec"]["l1"]["W"] + params["dec"]["l1"]["b"])
    return h @ params["dec"]["l2"]["W"] + params["dec"]["l2"]["b"]


def reference(pos, vel, mass, params):
    mask = _radius_mask(pos, CUTOFF)
    return _forward(pos, vel, mass, params, mask)

if __name__ == "__main__":
    import jax
    _d = setup_inputs()
    print(jax.jit(kernel)(*tuple(_d.values())))

</pallas_src>

<mosaic_0001>
#map = affine_map<(d0, d1) -> (0, 0)>
#map1 = affine_map<(d0, d1) -> (0)>
module attributes {stable_mosaic.version = 14 : i64} {
  func.func @_edge_build(%arg0: i32, %arg1: i32, %arg2: memref<6x2048xf32, #tpu.memory_space<hbm>>, %arg3: memref<65536xi32, #tpu.memory_space<hbm>>, %arg4: memref<65536xi32, #tpu.memory_space<hbm>>, %arg5: memref<65536xf32, #tpu.memory_space<hbm>>, %arg6: memref<65536xf32, #tpu.memory_space<hbm>>, %arg7: memref<65536xf32, #tpu.memory_space<hbm>>, %arg8: memref<65536xf32, #tpu.memory_space<hbm>>, %arg9: memref<65536xf32, #tpu.memory_space<hbm>>, %arg10: memref<65536xf32, #tpu.memory_space<hbm>>, %arg11: memref<65536xf32, #tpu.memory_space<hbm>>, %arg12: memref<65536xf32, #tpu.memory_space<hbm>>, %arg13: memref<2048xf32, #tpu.memory_space<vmem>>, %arg14: memref<2048xf32, #tpu.memory_space<vmem>>, %arg15: memref<2048xf32, #tpu.memory_space<vmem>>, %arg16: memref<2048xf32, #tpu.memory_space<vmem>>, %arg17: memref<2048xf32, #tpu.memory_space<vmem>>, %arg18: memref<2048xf32, #tpu.memory_space<vmem>>, %arg19: memref<2064xi32, #tpu.memory_space<vmem>>, %arg20: memref<2064xi32, #tpu.memory_space<vmem>>, %arg21: memref<2064xf32, #tpu.memory_space<vmem>>, %arg22: memref<2064xf32, #tpu.memory_space<vmem>>, %arg23: memref<2064xf32, #tpu.memory_space<vmem>>, %arg24: memref<2064xf32, #tpu.memory_space<vmem>>, %arg25: memref<2064xf32, #tpu.memory_space<vmem>>, %arg26: memref<2064xf32, #tpu.memory_space<vmem>>, %arg27: memref<2064xf32, #tpu.memory_space<vmem>>, %arg28: memref<2064xf32, #tpu.memory_space<vmem>>, %arg29: memref<!tpu.dma_semaphore, #tpu.memory_space<semaphore_mem>>) attributes {dimension_semantics = [#tpu.dimension_semantics<core_parallel>, #tpu.dimension_semantics<subcore_parallel>], iteration_bounds = array<i64: 2, 16>, scalar_prefetch = 0 : i64, scratch_operands = 17 : i64, tpu.core_type = #tpu.core_type<sc_vector_subcore>, window_params = [{transform_indices = #map}, {transform_indices = #map1}, {transform_indices = #map1}, {transform_indices = #map1}, {transform_indices = #map1}, {transform_indices = #map1}, {transform_indices = #map1}, {transform_indices = #map1}, {transform_indices = #map1}, {transform_indices = #map1}, {transform_indices = #map1}]} {
    %mul3A = arith.constant 2 : i32
    %mul3A_0 = arith.muli %arg1, %mul3A : i32
    %add3A = arith.addi %mul3A_0, %arg0 : i32
    %run_scoped3A = arith.constant 0 : i32
    "tpu.region"() ({
      %run_scoped3A_28 = tpu.sem_alloc : memref<!tpu.dma_semaphore, #tpu.memory_space<semaphore_mem>>
      %dma_start3A = arith.constant 0 : i32
      %dma_start3A_29 = tpu.memref_slice %arg2[%run_scoped3A, %dma_start3A] : memref<6x2048xf32, #tpu.memory_space<hbm>> -> memref<1x2048xf32, #tpu.memory_space<hbm>>
      %dma_start3A_30 = tpu.memref_squeeze %dma_start3A_29 : memref<1x2048xf32, #tpu.memory_space<hbm>> -> memref<2048xf32, #tpu.memory_space<hbm>>
      %dma_start3A_31 = arith.constant 0 : i32
      %dma_start3A_32 = tpu.memref_slice %arg2[%run_scoped3A, %dma_start3A_31] : memref<6x2048xf32, #tpu.memory_space<hbm>> -> memref<1x2048xf32, #tpu.memory_space<hbm>>
      %dma_start3A_33 = tpu.memref_squeeze %dma_start3A_32 : memref<1x2048xf32, #tpu.memory_space<hbm>> -> memref<2048xf32, #tpu.memory_space<hbm>>
      tpu.enqueue_dma source(%dma_start3A_33 : memref<2048xf32, #tpu.memory_space<hbm>>) target(%arg13 : memref<2048xf32, #tpu.memory_space<vmem>>) target_semaphore(%run_scoped3A_28 : memref<!tpu.dma_semaphore, #tpu.memory_space<semaphore_mem>>)
      %dma_wait3A = arith.constant 0 : i32
      %dma_wait3A_34 = tpu.memref_slice %arg2[%run_scoped3A, %dma_wait3A] : memref<6x2048xf32, #tpu.memory_space<hbm>> -> memref<1x2048xf32, #tpu.memory_space<hbm>>
      %dma_wait3A_35 = tpu.memref_squeeze %dma_wait3A_34 : memref<1x2048xf32, #tpu.memory_space<hbm>> -> memref<2048xf32, #tpu.memory_space<hbm>>
      %dma_wait3A_36 = arith.constant 0 : i32
      %dma_wait3A_37 = tpu.memref_slice %arg2[%run_scoped3A, %dma_wait3A_36] : memref<6x2048xf32, #tpu.memory_space<hbm>> -> memref<1x2048xf32, #tpu.memory_space<hbm>>
      %dma_wait3A_38 = tpu.memref_squeeze %dma_wait3A_37 : memref<1x2048xf32, #tpu.memory_space<hbm>> -> memref<2048xf32, #tpu.memory_space<hbm>>
      tpu.wait_dma2 semaphore(%run_scoped3A_28 : memref<!tpu.dma_semaphore, #tpu.memory_space<semaphore_mem>>) src(%dma_wait3A_38 : memref<2048xf32, #tpu.memory_space<hbm>>) dst(%arg13 : memref<2048xf32, #tpu.memory_space<vmem>>)
      tpu.yield
    }) : () -> ()
    %run_scoped3A_1 = arith.constant 1 : i32
    "tpu.region"() ({
      %run_scoped3A_28 = tpu.sem_alloc : memref<!tpu.dma_semaphore, #tpu.memory_space<semaphore_mem>>
      %dma_start3A = arith.constant 0 : i32
      %dma_start3A_29 = tpu.memref_slice %arg2[%run_scoped3A_1, %dma_start3A] : memref<6x2048xf32, #tpu.memory_space<hbm>> -> memref<1x2048xf32, #tpu.memory_space<hbm>>
      %dma_start3A_30 = tpu.memref_squeeze %dma_start3A_29 : memref<1x2048xf32, #tpu.memory_space<hbm>> -> memref<2048xf32, #tpu.memory_space<hbm>>
      %dma_start3A_31 = arith.constant 0 : i32
      %dma_start3A_32 = tpu.memref_slice %arg2[%run_scoped3A_1, %dma_start3A_31] : memref<6x2048xf32, #tpu.memory_space<hbm>> -> memref<1x2048xf32, #tpu.memory_space<hbm>>
      %dma_start3A_33 = tpu.memref_squeeze %dma_start3A_32 : memref<1x2048xf32, #tpu.memory_space<hbm>> -> memref<2048xf32, #tpu.memory_space<hbm>>
      tpu.enqueue_dma source(%dma_start3A_33 : memref<2048xf32, #tpu.memory_space<hbm>>) target(%arg14 : memref<2048xf32, #tpu.memory_space<vmem>>) target_semaphore(%run_scoped3A_28 : memref<!tpu.dma_semaphore, #tpu.memory_space<semaphore_mem>>)
      %dma_wait3A = arith.constant 0 : i32
      %dma_wait3A_34 = tpu.memref_slice %arg2[%run_scoped3A_1, %dma_wait3A] : memref<6x2048xf32, #tpu.memory_space<hbm>> -> memref<1x2048xf32, #tpu.memory_space<hbm>>
      %dma_wait3A_35 = tpu.memref_squeeze %dma_wait3A_34 : memref<1x2048xf32, #tpu.memory_space<hbm>> -> memref<2048xf32, #tpu.memory_space<hbm>>
      %dma_wait3A_36 = arith.constant 0 : i32
      %dma_wait3A_37 = tpu.memref_slice %arg2[%run_scoped3A_1, %dma_wait3A_36] : memref<6x2048xf32, #tpu.memory_space<hbm>> -> memref<1x2048xf32, #tpu.memory_space<hbm>>
      %dma_wait3A_38 = tpu.memref_squeeze %dma_wait3A_37 : memref<1x2048xf32, #tpu.memory_space<hbm>> -> memref<2048xf32, #tpu.memory_space<hbm>>
      tpu.wait_dma2 semaphore(%run_scoped3A_28 : memref<!tpu.dma_semaphore, #tpu.memory_space<semaphore_mem>>) src(%dma_wait3A_38 : memref<2048xf32, #tpu.memory_space<hbm>>) dst(%arg14 : memref<2048xf32, #tpu.memory_space<vmem>>)
      tpu.yield
    }) : () -> ()
    %run_scoped3A_2 = arith.constant 2 : i32
    "tpu.region"() ({
      %run_scoped3A_28 = tpu.sem_alloc : memref<!tpu.dma_semaphore, #tpu.memory_space<semaphore_mem>>
      %dma_start3A = arith.constant 0 : i32
      %dma_start3A_29 = tpu.memref_slice %arg2[%run_scoped3A_2, %dma_start3A] : memref<6x2048xf32, #tpu.memory_space<hbm>> -> memref<1x2048xf32, #tpu.memory_space<hbm>>
      %dma_start3A_30 = tpu.memref_squeeze %dma_start3A_29 : memref<1x2048xf32, #tpu.memory_space<hbm>> -> memref<2048xf32, #tpu.memory_space<hbm>>
      %dma_start3A_31 = arith.constant 0 : i32
      %dma_start3A_32 = tpu.memref_slice %arg2[%run_scoped3A_2, %dma_start3A_31] : memref<6x2048xf32, #tpu.memory_space<hbm>> -> memref<1x2048xf32, #tpu.memory_space<hbm>>
      %dma_start3A_33 = tpu.memref_squeeze %dma_start3A_32 : memref<1x2048xf32, #tpu.memory_space<hbm>> -> memref<2048xf32, #tpu.memory_space<hbm>>
      tpu.enqueue_dma source(%dma_start3A_33 : memref<2048xf32, #tpu.memory_space<hbm>>) target(%arg15 : memref<2048xf32, #tpu.memory_space<vmem>>) target_semaphore(%run_scoped3A_28 : memref<!tpu.dma_semaphore, #tpu.memory_space<semaphore_mem>>)
      %dma_wait3A = arith.constant 0 : i32
      %dma_wait3A_34 = tpu.memref_slice %arg2[%run_scoped3A_2, %dma_wait3A] : memref<6x2048xf32, #tpu.memory_space<hbm>> -> memref<1x2048xf32, #tpu.memory_space<hbm>>
      %dma_wait3A_35 = tpu.memref_squeeze %dma_wait3A_34 : memref<1x2048xf32, #tpu.memory_space<hbm>> -> memref<2048xf32, #tpu.memory_space<hbm>>
      %dma_wait3A_36 = arith.constant 0 : i32
      %dma_wait3A_37 = tpu.memref_slice %arg2[%run_scoped3A_2, %dma_wait3A_36] : memref<6x2048xf32, #tpu.memory_space<hbm>> -> memref<1x2048xf32, #tpu.memory_space<hbm>>
      %dma_wait3A_38 = tpu.memref_squeeze %dma_wait3A_37 : memref<1x2048xf32, #tpu.memory_space<hbm>> -> memref<2048xf32, #tpu.memory_space<hbm>>
      tpu.wait_dma2 semaphore(%run_scoped3A_28 : memref<!tpu.dma_semaphore, #tpu.memory_space<semaphore_mem>>) src(%dma_wait3A_38 : memref<2048xf32, #tpu.memory_space<hbm>>) dst(%arg15 : memref<2048xf32, #tpu.memory_space<vmem>>)
      tpu.yield
    }) : () -> ()
    %run_scoped3A_3 = arith.constant 3 : i32
    "tpu.region"() ({
      %run_scoped3A_28 = tpu.sem_alloc : memref<!tpu.dma_semaphore, #tpu.memory_space<semaphore_mem>>
      %dma_start3A = arith.constant 0 : i32
      %dma_start3A_29 = tpu.memref_slice %arg2[%run_scoped3A_3, %dma_start3A] : memref<6x2048xf32, #tpu.memory_space<hbm>> -> memref<1x2048xf32, #tpu.memory_space<hbm>>
      %dma_start3A_30 = tpu.memref_squeeze %dma_start3A_29 : memref<1x2048xf32, #tpu.memory_space<hbm>> -> memref<2048xf32, #tpu.memory_space<hbm>>
      %dma_start3A_31 = arith.constant 0 : i32
      %dma_start3A_32 = tpu.memref_slice %arg2[%run_scoped3A_3, %dma_start3A_31] : memref<6x2048xf32, #tpu.memory_space<hbm>> -> memref<1x2048xf32, #tpu.memory_space<hbm>>
      %dma_start3A_33 = tpu.memref_squeeze %dma_start3A_32 : memref<1x2048xf32, #tpu.memory_space<hbm>> -> memref<2048xf32, #tpu.memory_space<hbm>>
      tpu.enqueue_dma source(%dma_start3A_33 : memref<2048xf32, #tpu.memory_space<hbm>>) target(%arg16 : memref<2048xf32, #tpu.memory_space<vmem>>) target_semaphore(%run_scoped3A_28 : memref<!tpu.dma_semaphore, #tpu.memory_space<semaphore_mem>>)
      %dma_wait3A = arith.constant 0 : i32
      %dma_wait3A_34 = tpu.memref_slice %arg2[%run_scoped3A_3, %dma_wait3A] : memref<6x2048xf32, #tpu.memory_space<hbm>> -> memref<1x2048xf32, #tpu.memory_space<hbm>>
      %dma_wait3A_35 = tpu.memref_squeeze %dma_wait3A_34 : memref<1x2048xf32, #tpu.memory_space<hbm>> -> memref<2048xf32, #tpu.memory_space<hbm>>
      %dma_wait3A_36 = arith.constant 0 : i32
      %dma_wait3A_37 = tpu.memref_slice %arg2[%run_scoped3A_3, %dma_wait3A_36] : memref<6x2048xf32, #tpu.memory_space<hbm>> -> memref<1x2048xf32, #tpu.memory_space<hbm>>
      %dma_wait3A_38 = tpu.memref_squeeze %dma_wait3A_37 : memref<1x2048xf32, #tpu.memory_space<hbm>> -> memref<2048xf32, #tpu.memory_space<hbm>>
      tpu.wait_dma2 semaphore(%run_scoped3A_28 : memref<!tpu.dma_semaphore, #tpu.memory_space<semaphore_mem>>) src(%dma_wait3A_38 : memref<2048xf32, #tpu.memory_space<hbm>>) dst(%arg16 : memref<2048xf32, #tpu.memory_space<vmem>>)
      tpu.yield
    }) : () -> ()
    %run_scoped3A_4 = arith.constant 4 : i32
    "tpu.region"() ({
      %run_scoped3A_28 = tpu.sem_alloc : memref<!tpu.dma_semaphore, #tpu.memory_space<semaphore_mem>>
      %dma_start3A = arith.constant 0 : i32
      %dma_start3A_29 = tpu.memref_slice %arg2[%run_scoped3A_4, %dma_start3A] : memref<6x2048xf32, #tpu.memory_space<hbm>> -> memref<1x2048xf32, #tpu.memory_space<hbm>>
      %dma_start3A_30 = tpu.memref_squeeze %dma_start3A_29 : memref<1x2048xf32, #tpu.memory_space<hbm>> -> memref<2048xf32, #tpu.memory_space<hbm>>
      %dma_start3A_31 = arith.constant 0 : i32
      %dma_start3A_32 = tpu.memref_slice %arg2[%run_scoped3A_4, %dma_start3A_31] : memref<6x2048xf32, #tpu.memory_space<hbm>> -> memref<1x2048xf32, #tpu.memory_space<hbm>>
      %dma_start3A_33 = tpu.memref_squeeze %dma_start3A_32 : memref<1x2048xf32, #tpu.memory_space<hbm>> -> memref<2048xf32, #tpu.memory_space<hbm>>
      tpu.enqueue_dma source(%dma_start3A_33 : memref<2048xf32, #tpu.memory_space<hbm>>) target(%arg17 : memref<2048xf32, #tpu.memory_space<vmem>>) target_semaphore(%run_scoped3A_28 : memref<!tpu.dma_semaphore, #tpu.memory_space<semaphore_mem>>)
      %dma_wait3A = arith.constant 0 : i32
      %dma_wait3A_34 = tpu.memref_slice %arg2[%run_scoped3A_4, %dma_wait3A] : memref<6x2048xf32, #tpu.memory_space<hbm>> -> memref<1x2048xf32, #tpu.memory_space<hbm>>
      %dma_wait3A_35 = tpu.memref_squeeze %dma_wait3A_34 : memref<1x2048xf32, #tpu.memory_space<hbm>> -> memref<2048xf32, #tpu.memory_space<hbm>>
      %dma_wait3A_36 = arith.constant 0 : i32
      %dma_wait3A_37 = tpu.memref_slice %arg2[%run_scoped3A_4, %dma_wait3A_36] : memref<6x2048xf32, #tpu.memory_space<hbm>> -> memref<1x2048xf32, #tpu.memory_space<hbm>>
      %dma_wait3A_38 = tpu.memref_squeeze %dma_wait3A_37 : memref<1x2048xf32, #tpu.memory_space<hbm>> -> memref<2048xf32, #tpu.memory_space<hbm>>
      tpu.wait_dma2 semaphore(%run_scoped3A_28 : memref<!tpu.dma_semaphore, #tpu.memory_space<semaphore_mem>>) src(%dma_wait3A_38 : memref<2048xf32, #tpu.memory_space<hbm>>) dst(%arg17 : memref<2048xf32, #tpu.memory_space<vmem>>)
      tpu.yield
    }) : () -> ()
    %run_scoped3A_5 = arith.constant 5 : i32
    "tpu.region"() ({
      %run_scoped3A_28 = tpu.sem_alloc : memref<!tpu.dma_semaphore, #tpu.memory_space<semaphore_mem>>
      %dma_start3A = arith.constant 0 : i32
      %dma_start3A_29 = tpu.memref_slice %arg2[%run_scoped3A_5, %dma_start3A] : memref<6x2048xf32, #tpu.memory_space<hbm>> -> memref<1x2048xf32, #tpu.memory_space<hbm>>
      %dma_start3A_30 = tpu.memref_squeeze %dma_start3A_29 : memref<1x2048xf32, #tpu.memory_space<hbm>> -> memref<2048xf32, #tpu.memory_space<hbm>>
      %dma_start3A_31 = arith.constant 0 : i32
      %dma_start3A_32 = tpu.memref_slice %arg2[%run_scoped3A_5, %dma_start3A_31] : memref<6x2048xf32, #tpu.memory_space<hbm>> -> memref<1x2048xf32, #tpu.memory_space<hbm>>
      %dma_start3A_33 = tpu.memref_squeeze %dma_start3A_32 : memref<1x2048xf32, #tpu.memory_space<hbm>> -> memref<2048xf32, #tpu.memory_space<hbm>>
      tpu.enqueue_dma source(%dma_start3A_33 : memref<2048xf32, #tpu.memory_space<hbm>>) target(%arg18 : memref<2048xf32, #tpu.memory_space<vmem>>) target_semaphore(%run_scoped3A_28 : memref<!tpu.dma_semaphore, #tpu.memory_space<semaphore_mem>>)
      %dma_wait3A = arith.constant 0 : i32
      %dma_wait3A_34 = tpu.memref_slice %arg2[%run_scoped3A_5, %dma_wait3A] : memref<6x2048xf32, #tpu.memory_space<hbm>> -> memref<1x2048xf32, #tpu.memory_space<hbm>>
      %dma_wait3A_35 = tpu.memref_squeeze %dma_wait3A_34 : memref<1x2048xf32, #tpu.memory_space<hbm>> -> memref<2048xf32, #tpu.memory_space<hbm>>
      %dma_wait3A_36 = arith.constant 0 : i32
      %dma_wait3A_37 = tpu.memref_slice %arg2[%run_scoped3A_5, %dma_wait3A_36] : memref<6x2048xf32, #tpu.memory_space<hbm>> -> memref<1x2048xf32, #tpu.memory_space<hbm>>
      %dma_wait3A_38 = tpu.memref_squeeze %dma_wait3A_37 : memref<1x2048xf32, #tpu.memory_space<hbm>> -> memref<2048xf32, #tpu.memory_space<hbm>>
      tpu.wait_dma2 semaphore(%run_scoped3A_28 : memref<!tpu.dma_semaphore, #tpu.memory_space<semaphore_mem>>) src(%dma_wait3A_38 : memref<2048xf32, #tpu.memory_space<hbm>>) dst(%arg18 : memref<2048xf32, #tpu.memory_space<vmem>>)
      tpu.yield
    }) : () -> ()
    %broadcast_in_dim3A = arith.constant 0 : i32
    %broadcast_in_dim3A_6 = vector.broadcast %broadcast_in_dim3A : i32 to vector<16xi32>
    %broadcast_in_dim3A_7 = arith.constant 0.000000e+00 : f32
    %broadcast_in_dim3A_8 = vector.broadcast %broadcast_in_dim3A_7 : f32 to vector<16xf32>
    %scan3A = arith.constant 0 : i32
    %scan3A_9 = arith.constant 0 : i32
    %scan3A_10 = arith.constant 129 : i32
    %scan3A_11 = arith.addi %scan3A_9, %scan3A_10 : i32
    %scan3A_12 = arith.constant 1 : i32
    %scan3A_13 = scf.for %scan3A_28 = %scan3A_9 to %scan3A_11 step %scan3A_12 iter_args(%scan3A_29 = %scan3A) -> (i32)  : i32 {
      %mul3A_30 = arith.constant 16 : i32
      %mul3A_31 = arith.muli %scan3A_28, %mul3A_30 : i32
      %swap3A = arith.index_cast %mul3A_31 : i32 to index
      %swap3A_32 = tpu.vector_load %arg19[%swap3A] {strides = array<i32>} : memref<2064xi32, #tpu.memory_space<vmem>>, vector<16xi32>,
      tpu.vector_store %arg19[%swap3A], %broadcast_in_dim3A_6 {strides = array<i32>} : memref<2064xi32, #tpu.memory_space<vmem>>, vector<16xi32>,
      %swap3A_33 = arith.index_cast %mul3A_31 : i32 to index
      %swap3A_34 = tpu.vector_load %arg20[%swap3A_33] {strides = array<i32>} : memref<2064xi32, #tpu.memory_space<vmem>>, vector<16xi32>,
      tpu.vector_store %arg20[%swap3A_33], %broadcast_in_dim3A_6 {strides = array<i32>} : memref<2064xi32, #tpu.memory_space<vmem>>, vector<16xi32>,
      %swap3A_35 = arith.index_cast %mul3A_31 : i32 to index
      %swap3A_36 = tpu.vector_load %arg21[%swap3A_35] {strides = array<i32>} : memref<2064xf32, #tpu.memory_space<vmem>>, vector<16xf32>,
      tpu.vector_store %arg21[%swap3A_35], %broadcast_in_dim3A_8 {strides = array<i32>} : memref<2064xf32, #tpu.memory_space<vmem>>, vector<16xf32>,
      %swap3A_37 = arith.index_cast %mul3A_31 : i32 to index
      %swap3A_38 = tpu.vector_load %arg22[%swap3A_37] {strides = array<i32>} : memref<2064xf32, #tpu.memory_space<vmem>>, vector<16xf32>,
      tpu.vector_store %arg22[%swap3A_37], %broadcast_in_dim3A_8 {strides = array<i32>} : memref<2064xf32, #tpu.memory_space<vmem>>, vector<16xf32>,
      %swap3A_39 = arith.index_cast %mul3A_31 : i32 to index
      %swap3A_40 = tpu.vector_load %arg23[%swap3A_39] {strides = array<i32>} : memref<2064xf32, #tpu.memory_space<vmem>>, vector<16xf32>,
      tpu.vector_store %arg23[%swap3A_39], %broadcast_in_dim3A_8 {strides = array<i32>} : memref<2064xf32, #tpu.memory_space<vmem>>, vector<16xf32>,
      %swap3A_41 = arith.index_cast %mul3A_31 : i32 to index
      %swap3A_42 = tpu.vector_load %arg24[%swap3A_41] {strides = array<i32>} : memref<2064xf32, #tpu.memory_space<vmem>>, vector<16xf32>,
      tpu.vector_store %arg24[%swap3A_41], %broadcast_in_dim3A_8 {strides = array<i32>} : memref<2064xf32, #tpu.memory_space<vmem>>, vector<16xf32>,
      %swap3A_43 = arith.index_cast %mul3A_31 : i32 to index
      %swap3A_44 = tpu.vector_load %arg25[%swap3A_43] {strides = array<i32>} : memref<2064xf32, #tpu.memory_space<vmem>>, vector<16xf32>,
      tpu.vector_store %arg25[%swap3A_43], %broadcast_in_dim3A_8 {strides = array<i32>} : memref<2064xf32, #tpu.memory_space<vmem>>, vector<16xf32>,
      %swap3A_45 = arith.index_cast %mul3A_31 : i32 to index
      %swap3A_46 = tpu.vector_load %arg26[%swap3A_45] {strides = array<i32>} : memref<2064xf32, #tpu.memory_space<vmem>>, vector<16xf32>,
      tpu.vector_store %arg26[%swap3A_45], %broadcast_in_dim3A_8 {strides = array<i32>} : memref<2064xf32, #tpu.memory_space<vmem>>, vector<16xf32>,
      %swap3A_47 = arith.index_cast %mul3A_31 : i32 to index
      %swap3A_48 = tpu.vector_load %arg27[%swap3A_47] {strides = array<i32>} : memref<2064xf32, #tpu.memory_space<vmem>>, vector<16xf32>,
      tpu.vector_store %arg27[%swap3A_47], %broadcast_in_dim3A_8 {strides = array<i32>} : memref<2064xf32, #tpu.memory_space<vmem>>, vector<16xf32>,
      %swap3A_49 = arith.index_cast %mul3A_31 : i32 to index
      %swap3A_50 = tpu.vector_load %arg28[%swap3A_49] {strides = array<i32>} : memref<2064xf32, #tpu.memory_space<vmem>>, vector<16xf32>,
      tpu.vector_store %arg28[%swap3A_49], %broadcast_in_dim3A_8 {strides = array<i32>} : memref<2064xf32, #tpu.memory_space<vmem>>, vector<16xf32>,
      %scan3A_51 = arith.constant 0 : i32
      scf.yield %scan3A_51 : i32
    }
    %scan3A_14 = arith.constant 129 : i32
    %iota3A = tpu.iota {dimensions = array<i32: 0>} : vector<16xi32>
    %broadcast_in_dim3A_15 = arith.constant 1.000000e+00 : f32
    %broadcast_in_dim3A_16 = vector.broadcast %broadcast_in_dim3A_15 : f32 to vector<16xf32>
    %mul3A_17 = arith.constant 64 : i32
    %mul3A_18 = arith.muli %add3A, %mul3A_17 : i32
    %scan3A_19 = arith.constant 0 : i32
    %scan3A_20 = arith.constant 0 : i32
    %scan3A_21 = arith.constant 64 : i32
    %scan3A_22 = arith.addi %scan3A_20, %scan3A_21 : i32
    %scan3A_23 = arith.constant 1 : i32
    %scan3A_24 = scf.for %scan3A_28 = %scan3A_20 to %scan3A_22 step %scan3A_23 iter_args(%scan3A_29 = %scan3A_19) -> (i32)  : i32 {
      %add3A_30 = arith.addi %mul3A_18, %scan3A_28 : i32
      %broadcast_in_dim3A_31 = vector.broadcast %add3A_30 : i32 to vector<16xi32>
      %gather3A = tpu.vector_load_idx %arg13[%broadcast_in_dim3A_31] : memref<2048xf32, #tpu.memory_space<vmem>>[vector<16xi32>], vector<16xf32>,
      %gather3A_32 = tpu.vector_load_idx %arg14[%broadcast_in_dim3A_31] : memref<2048xf32, #tpu.memory_space<vmem>>[vector<16xi32>], vector<16xf32>,
      %gather3A_33 = tpu.vector_load_idx %arg15[%broadcast_in_dim3A_31] : memref<2048xf32, #tpu.memory_space<vmem>>[vector<16xi32>], vector<16xf32>,
      %scan3A_34 = arith.constant 0 : i32
      %scan3A_35 = arith.constant 128 : i32
      %scan3A_36 = arith.addi %scan3A_34, %scan3A_35 : i32
      %scan3A_37 = arith.constant 1 : i32
      %scan3A_38 = scf.for %scan3A_40 = %scan3A_34 to %scan3A_36 step %scan3A_37 iter_args(%scan3A_41 = %scan3A_29) -> (i32)  : i32 {
        %mul3A_42 = arith.constant 16 : i32
        %mul3A_43 = arith.muli %scan3A_40, %mul3A_42 : i32
        %get3A = arith.index_cast %mul3A_43 : i32 to index
        %get3A_44 = tpu.vector_load %arg13[%get3A] {strides = array<i32>} : memref<2048xf32, #tpu.memory_space<vmem>>, vector<16xf32>,
        %sub3A = arith.subf %gather3A, %get3A_44 : vector<16xf32>
        %get3A_45 = arith.index_cast %mul3A_43 : i32 to index
        %get3A_46 = tpu.vector_load %arg14[%get3A_45] {strides = array<i32>} : memref<2048xf32, #tpu.memory_space<vmem>>, vector<16xf32>,
        %sub3A_47 = arith.subf %gather3A_32, %get3A_46 : vector<16xf32>
        %get3A_48 = arith.index_cast %mul3A_43 : i32 to index
        %get3A_49 = tpu.vector_load %arg15[%get3A_48] {strides = array<i32>} : memref<2048xf32, #tpu.memory_space<vmem>>, vector<16xf32>,
        %sub3A_50 = arith.subf %gather3A_33, %get3A_49 : vector<16xf32>
        %mul3A_51 = arith.mulf %sub3A, %sub3A : vector<16xf32>
        %mul3A_52 = arith.mulf %sub3A_47, %sub3A_47 : vector<16xf32>
        %add3A_53 = arith.addf %mul3A_51, %mul3A_52 : vector<16xf32>
        %mul3A_54 = arith.mulf %sub3A_50, %sub3A_50 : vector<16xf32>
        %add3A_55 = arith.addf %add3A_53, %mul3A_54 : vector<16xf32>
        %add3A_56 = vector.broadcast %mul3A_43 : i32 to vector<16xi32>
        %add3A_57 = arith.addi %add3A_56, %iota3A : vector<16xi32>
        %lt3A = arith.constant 2.500000e+01 : f32
        %lt3A_58 = vector.broadcast %lt3A : f32 to vector<16xf32>
        %lt3A_59 = arith.cmpf olt, %add3A_55, %lt3A_58 : vector<16xf32>
        %ne3A = arith.cmpi ne, %add3A_57, %broadcast_in_dim3A_31 : vector<16xi32>
        %and3A = arith.andi %lt3A_59, %ne3A : vector<16xi1>
        %all_reduce_population_count3A = tpu.all_reduce %and3A {dim = 0 : i64, kind = #tpu.reduction_kind<sum>} : vector<16xi1> -> vector<16xi32>
        %reduce_max3A = arith.constant true
        %reduce_max3A_60 = vector.broadcast %reduce_max3A : i1 to vector<16xi1>
        %reduce_max3A_61 = arith.constant -2147483648 : i32
        %reduce_max3A_62 = vector.broadcast %reduce_max3A_61 : i32 to vector<16xi32>
        %reduce_max3A_63 = arith.xori %all_reduce_population_count3A, %reduce_max3A_62 : vector<16xi32>
        %reduce_max3A_64 = tpu.scan <max>, %reduce_max3A_63 masked %reduce_max3A_60 : vector<16xi32>, vector<16xi1> -> vector<16xi32>
        %reduce_max3A_65 = arith.xori %reduce_max3A_64, %reduce_max3A_62 : vector<16xi32>
        %reduce_max3A_66 = vector.extract %reduce_max3A_65[15] : i32 from vector<16xi32>
        %gt3A = arith.constant 0 : i32
        %gt3A_67 = arith.cmpi sgt, %reduce_max3A_66, %gt3A : i32
        %le3A = arith.constant 2032 : i32
        %le3A_68 = arith.cmpi sle, %scan3A_41, %le3A : i32
        %and3A_69 = arith.andi %gt3A_67, %le3A_68 : i1
        %convert_element_type3A = arith.extui %and3A_69 : i1 to i32
        %cond3A = arith.constant 0 : i32
        %cond3A_70 = arith.cmpi ne, %convert_element_type3A, %cond3A : i32
        scf.if %cond3A_70 {
          %gather3A_72 = tpu.vector_load_idx %arg16[%broadcast_in_dim3A_31] : memref<2048xf32, #tpu.memory_space<vmem>>[vector<16xi32>], vector<16xf32>,
          %gather3A_73 = tpu.vector_load_idx %arg17[%broadcast_in_dim3A_31] : memref<2048xf32, #tpu.memory_space<vmem>>[vector<16xi32>], vector<16xf32>,
          %gather3A_74 = tpu.vector_load_idx %arg18[%broadcast_in_dim3A_31] : memref<2048xf32, #tpu.memory_space<vmem>>[vector<16xi32>], vector<16xf32>,
          %get3A_75 = arith.index_cast %mul3A_43 : i32 to index
          %get3A_76 = tpu.vector_load %arg16[%get3A_75] {strides = array<i32>} : memref<2048xf32, #tpu.memory_space<vmem>>, vector<16xf32>,
          %sub3A_77 = arith.subf %gather3A_72, %get3A_76 : vector<16xf32>
          %get3A_78 = arith.index_cast %mul3A_43 : i32 to index
          %get3A_79 = tpu.vector_load %arg17[%get3A_78] {strides = array<i32>} : memref<2048xf32, #tpu.memory_space<vmem>>, vector<16xf32>,
          %sub3A_80 = arith.subf %gather3A_73, %get3A_79 : vector<16xf32>
          %get3A_81 = arith.index_cast %mul3A_43 : i32 to index
          %get3A_82 = tpu.vector_load %arg18[%get3A_81] {strides = array<i32>} : memref<2048xf32, #tpu.memory_space<vmem>>, vector<16xf32>,
          %sub3A_83 = arith.subf %gather3A_74, %get3A_82 : vector<16xf32>
          %swap3A = arith.index_cast %scan3A_41 : i32 to index
          %swap3A_84 = tpu.vector_load %arg19[%swap3A] masked %and3A {strides = array<i32>} : memref<2064xi32, #tpu.memory_space<vmem>>, vector<16xi32>, vector<16xi1>
          tpu.vector_store %arg19[%swap3A], %add3A_57 masked %and3A {strides = array<i32>} : memref<2064xi32, #tpu.memory_space<vmem>>, vector<16xi32>, vector<16xi1>
          %swap3A_85 = arith.index_cast %scan3A_41 : i32 to index
          %swap3A_86 = tpu.vector_load %arg20[%swap3A_85] masked %and3A {strides = array<i32>} : memref<2064xi32, #tpu.memory_space<vmem>>, vector<16xi32>, vector<16xi1>
          tpu.vector_store %arg20[%swap3A_85], %broadcast_in_dim3A_31 masked %and3A {strides = array<i32>} : memref<2064xi32, #tpu.memory_space<vmem>>, vector<16xi32>, vector<16xi1>
          %swap3A_87 = arith.index_cast %scan3A_41 : i32 to index
          %swap3A_88 = tpu.vector_load %arg21[%swap3A_87] masked %and3A {strides = array<i32>} : memref<2064xf32, #tpu.memory_space<vmem>>, vector<16xf32>, vector<16xi1>
          tpu.vector_store %arg21[%swap3A_87], %sub3A masked %and3A {strides = array<i32>} : memref<2064xf32, #tpu.memory_space<vmem>>, vector<16xf32>, vector<16xi1>
          %swap3A_89 = arith.index_cast %scan3A_41 : i32 to index
          %swap3A_90 = tpu.vector_load %arg22[%swap3A_89] masked %and3A {strides = array<i32>} : memref<2064xf32, #tpu.memory_space<vmem>>, vector<16xf32>, vector<16xi1>
          tpu.vector_store %arg22[%swap3A_89], %sub3A_47 masked %and3A {strides = array<i32>} : memref<2064xf32, #tpu.memory_space<vmem>>, vector<16xf32>, vector<16xi1>
          %swap3A_91 = arith.index_cast %scan3A_41 : i32 to index
          %swap3A_92 = tpu.vector_load %arg23[%swap3A_91] masked %and3A {strides = array<i32>} : memref<2064xf32, #tpu.memory_space<vmem>>, vector<16xf32>, vector<16xi1>
          tpu.vector_store %arg23[%swap3A_91], %sub3A_50 masked %and3A {strides = array<i32>} : memref<2064xf32, #tpu.memory_space<vmem>>, vector<16xf32>, vector<16xi1>
          %swap3A_93 = arith.index_cast %scan3A_41 : i32 to index
          %swap3A_94 = tpu.vector_load %arg24[%swap3A_93] masked %and3A {strides = array<i32>} : memref<2064xf32, #tpu.memory_space<vmem>>, vector<16xf32>, vector<16xi1>
          tpu.vector_store %arg24[%swap3A_93], %add3A_55 masked %and3A {strides = array<i32>} : memref<2064xf32, #tpu.memory_space<vmem>>, vector<16xf32>, vector<16xi1>
          %swap3A_95 = arith.index_cast %scan3A_41 : i32 to index
          %swap3A_96 = tpu.vector_load %arg25[%swap3A_95] masked %and3A {strides = array<i32>} : memref<2064xf32, #tpu.memory_space<vmem>>, vector<16xf32>, vector<16xi1>
          tpu.vector_store %arg25[%swap3A_95], %sub3A_77 masked %and3A {strides = array<i32>} : memref<2064xf32, #tpu.memory_space<vmem>>, vector<16xf32>, vector<16xi1>
          %swap3A_97 = arith.index_cast %scan3A_41 : i32 to index
          %swap3A_98 = tpu.vector_load %arg26[%swap3A_97] masked %and3A {strides = array<i32>} : memref<2064xf32, #tpu.memory_space<vmem>>, vector<16xf32>, vector<16xi1>
          tpu.vector_store %arg26[%swap3A_97], %sub3A_80 masked %and3A {strides = array<i32>} : memref<2064xf32, #tpu.memory_space<vmem>>, vector<16xf32>, vector<16xi1>
          %swap3A_99 = arith.index_cast %scan3A_41 : i32 to index
          %swap3A_100 = tpu.vector_load %arg27[%swap3A_99] masked %and3A {strides = array<i32>} : memref<2064xf32, #tpu.memory_space<vmem>>, vector<16xf32>, vector<16xi1>
          tpu.vector_store %arg27[%swap3A_99], %sub3A_83 masked %and3A {strides = array<i32>} : memref<2064xf32, #tpu.memory_space<vmem>>, vector<16xf32>, vector<16xi1>
          %swap3A_101 = arith.index_cast %scan3A_41 : i32 to index
          %swap3A_102 = tpu.vector_load %arg28[%swap3A_101] masked %and3A {strides = array<i32>} : memref<2064xf32, #tpu.memory_space<vmem>>, vector<16xf32>, vector<16xi1>
          tpu.vector_store %arg28[%swap3A_101], %broadcast_in_dim3A_16 masked %and3A {strides = array<i32>} : memref<2064xf32, #tpu.memory_space<vmem>>, vector<16xf32>, vector<16xi1>
        } else {
        }
        %jit3A = arith.constant 0 : i32
        %select_n3A = arith.select %and3A_69, %reduce_max3A_66, %jit3A : i32
        %add3A_71 = arith.addi %scan3A_41, %select_n3A : i32
        scf.yield %add3A_71 : i32
      }
      %scan3A_39 = arith.constant 128 : i32
      scf.yield %scan3A_38 : i32
    }
    %scan3A_25 = arith.constant 64 : i32
    %mul3A_26 = arith.constant 2048 : i32
    %mul3A_27 = arith.muli %add3A, %mul3A_26 : i32
    "tpu.region"() ({
      %run_scoped3A_28 = tpu.sem_alloc : memref<!tpu.dma_semaphore, #tpu.memory_space<semaphore_mem>>
      %dma_start3A = arith.constant 0 : i32
      %dma_start3A_29 = tpu.memref_slice %arg19[%dma_start3A] : memref<2064xi32, #tpu.memory_space<vmem>> -> memref<2048xi32, #tpu.memory_space<vmem>>
      %dma_start3A_30 = tpu.memref_slice %arg3[%mul3A_27] : memref<65536xi32, #tpu.memory_space<hbm>> -> memref<2048xi32, #tpu.memory_space<hbm>>
      %dma_start3A_31 = tpu.memref_slice %arg3[%mul3A_27] : memref<65536xi32, #tpu.memory_space<hbm>> -> memref<2048xi32, #tpu.memory_space<hbm>>
      %dma_start3A_32 = arith.constant 0 : i32
      %dma_start3A_33 = tpu.memref_slice %arg19[%dma_start3A_32] : memref<2064xi32, #tpu.memory_space<vmem>> -> memref<2048xi32, #tpu.memory_space<vmem>>
      tpu.enqueue_dma source(%dma_start3A_33 : memref<2048xi32, #tpu.memory_space<vmem>>) target(%dma_start3A_31 : memref<2048xi32, #tpu.memory_space<hbm>>) target_semaphore(%run_scoped3A_28 : memref<!tpu.dma_semaphore, #tpu.memory_space<semaphore_mem>>)
      %dma_wait3A = arith.constant 0 : i32
      %dma_wait3A_34 = tpu.memref_slice %arg19[%dma_wait3A] : memref<2064xi32, #tpu.memory_space<vmem>> -> memref<2048xi32, #tpu.memory_space<vmem>>
      %dma_wait3A_35 = tpu.memref_slice %arg3[%mul3A_27] : memref<65536xi32, #tpu.memory_space<hbm>> -> memref<2048xi32, #tpu.memory_space<hbm>>
      %dma_wait3A_36 = tpu.memref_slice %arg3[%mul3A_27] : memref<65536xi32, #tpu.memory_space<hbm>> -> memref<2048xi32, #tpu.memory_space<hbm>>
      %dma_wait3A_37 = arith.constant 0 : i32
      %dma_wait3A_38 = tpu.memref_slice %arg19[%dma_wait3A_37] : memref<2064xi32, #tpu.memory_space<vmem>> -> memref<2048xi32, #tpu.memory_space<vmem>>
      tpu.wait_dma2 semaphore(%run_scoped3A_28 : memref<!tpu.dma_semaphore, #tpu.memory_space<semaphore_mem>>) src(%dma_wait3A_38 : memref<2048xi32, #tpu.memory_space<vmem>>) dst(%dma_wait3A_36 : memref<2048xi32, #tpu.memory_space<hbm>>)
      tpu.yield
    }) : () -> ()
    "tpu.region"() ({
      %run_scoped3A_28 = tpu.sem_alloc : memref<!tpu.dma_semaphore, #tpu.memory_space<semaphore_mem>>
      %dma_start3A = arith.constant 0 : i32
      %dma_start3A_29 = tpu.memref_slice %arg20[%dma_start3A] : memref<2064xi32, #tpu.memory_space<vmem>> -> memref<2048xi32, #tpu.memory_space<vmem>>
      %dma_start3A_30 = tpu.memref_slice %arg4[%mul3A_27] : memref<65536xi32, #tpu.memory_space<hbm>> -> memref<2048xi32, #tpu.memory_space<hbm>>
      %dma_start3A_31 = tpu.memref_slice %arg4[%mul3A_27] : memref<65536xi32, #tpu.memory_space<hbm>> -> memref<2048xi32, #tpu.memory_space<hbm>>
      %dma_start3A_32 = arith.constant 0 : i32
      %dma_start3A_33 = tpu.memref_slice %arg20[%dma_start3A_32] : memref<2064xi32, #tpu.memory_space<vmem>> -> memref<2048xi32, #tpu.memory_space<vmem>>
      tpu.enqueue_dma source(%dma_start3A_33 : memref<2048xi32, #tpu.memory_space<vmem>>) target(%dma_start3A_31 : memref<2048xi32, #tpu.memory_space<hbm>>) target_semaphore(%run_scoped3A_28 : memref<!tpu.dma_semaphore, #tpu.memory_space<semaphore_mem>>)
      %dma_wait3A = arith.constant 0 : i32
      %dma_wait3A_34 = tpu.memref_slice %arg20[%dma_wait3A] : memref<2064xi32, #tpu.memory_space<vmem>> -> memref<2048xi32, #tpu.memory_space<vmem>>
      %dma_wait3A_35 = tpu.memref_slice %arg4[%mul3A_27] : memref<65536xi32, #tpu.memory_space<hbm>> -> memref<2048xi32, #tpu.memory_space<hbm>>
      %dma_wait3A_36 = tpu.memref_slice %arg4[%mul3A_27] : memref<65536xi32, #tpu.memory_space<hbm>> -> memref<2048xi32, #tpu.memory_space<hbm>>
      %dma_wait3A_37 = arith.constant 0 : i32
      %dma_wait3A_38 = tpu.memref_slice %arg20[%dma_wait3A_37] : memref<2064xi32, #tpu.memory_space<vmem>> -> memref<2048xi32, #tpu.memory_space<vmem>>
      tpu.wait_dma2 semaphore(%run_scoped3A_28 : memref<!tpu.dma_semaphore, #tpu.memory_space<semaphore_mem>>) src(%dma_wait3A_38 : memref<2048xi32, #tpu.memory_space<vmem>>) dst(%dma_wait3A_36 : memref<2048xi32, #tpu.memory_space<hbm>>)
      tpu.yield
    }) : () -> ()
    "tpu.region"() ({
      %run_scoped3A_28 = tpu.sem_alloc : memref<!tpu.dma_semaphore, #tpu.memory_space<semaphore_mem>>
      %dma_start3A = arith.constant 0 : i32
      %dma_start3A_29 = tpu.memref_slice %arg21[%dma_start3A] : memref<2064xf32, #tpu.memory_space<vmem>> -> memref<2048xf32, #tpu.memory_space<vmem>>
      %dma_start3A_30 = tpu.memref_slice %arg5[%mul3A_27] : memref<65536xf32, #tpu.memory_space<hbm>> -> memref<2048xf32, #tpu.memory_space<hbm>>
      %dma_start3A_31 = tpu.memref_slice %arg5[%mul3A_27] : memref<65536xf32, #tpu.memory_space<hbm>> -> memref<2048xf32, #tpu.memory_space<hbm>>
      %dma_start3A_32 = arith.constant 0 : i32
      %dma_start3A_33 = tpu.memref_slice %arg21[%dma_start3A_32] : memref<2064xf32, #tpu.memory_space<vmem>> -> memref<2048xf32, #tpu.memory_space<vmem>>
      tpu.enqueue_dma source(%dma_start3A_33 : memref<2048xf32, #tpu.memory_space<vmem>>) target(%dma_start3A_31 : memref<2048xf32, #tpu.memory_space<hbm>>) target_semaphore(%run_scoped3A_28 : memref<!tpu.dma_semaphore, #tpu.memory_space<semaphore_mem>>)
      %dma_wait3A = arith.constant 0 : i32
      %dma_wait3A_34 = tpu.memref_slice %arg21[%dma_wait3A] : memref<2064xf32, #tpu.memory_space<vmem>> -> memref<2048xf32, #tpu.memory_space<vmem>>
      %dma_wait3A_35 = tpu.memref_slice %arg5[%mul3A_27] : memref<65536xf32, #tpu.memory_space<hbm>> -> memref<2048xf32, #tpu.memory_space<hbm>>
      %dma_wait3A_36 = tpu.memref_slice %arg5[%mul3A_27] : memref<65536xf32, #tpu.memory_space<hbm>> -> memref<2048xf32, #tpu.memory_space<hbm>>
      %dma_wait3A_37 = arith.constant 0 : i32
      %dma_wait3A_38 = tpu.memref_slice %arg21[%dma_wait3A_37] : memref<2064xf32, #tpu.memory_space<vmem>> -> memref<2048xf32, #tpu.memory_space<vmem>>
      tpu.wait_dma2 semaphore(%run_scoped3A_28 : memref<!tpu.dma_semaphore, #tpu.memory_space<semaphore_mem>>) src(%dma_wait3A_38 : memref<2048xf32, #tpu.memory_space<vmem>>) dst(%dma_wait3A_36 : memref<2048xf32, #tpu.memory_space<hbm>>)
      tpu.yield
    }) : () -> ()
    "tpu.region"() ({
      %run_scoped3A_28 = tpu.sem_alloc : memref<!tpu.dma_semaphore, #tpu.memory_space<semaphore_mem>>
      %dma_start3A = arith.constant 0 : i32
      %dma_start3A_29 = tpu.memref_slice %arg22[%dma_start3A] : memref<2064xf32, #tpu.memory_space<vmem>> -> memref<2048xf32, #tpu.memory_space<vmem>>
      %dma_start3A_30 = tpu.memref_slice %arg6[%mul3A_27] : memref<65536xf32, #tpu.memory_space<hbm>> -> memref<2048xf32, #tpu.memory_space<hbm>>
      %dma_start3A_31 = tpu.memref_slice %arg6[%mul3A_27] : memref<65536xf32, #tpu.memory_space<hbm>> -> memref<2048xf32, #tpu.memory_space<hbm>>
      %dma_start3A_32 = arith.constant 0 : i32
      %dma_start3A_33 = tpu.memref_slice %arg22[%dma_start3A_32] : memref<2064xf32, #tpu.memory_space<vmem>> -> memref<2048xf32, #tpu.memory_space<vmem>>
      tpu.enqueue_dma source(%dma_start3A_33 : memref<2048xf32, #tpu.memory_space<vmem>>) target(%dma_start3A_31 : memref<2048xf32, #tpu.memory_space<hbm>>) target_semaphore(%run_scoped3A_28 : memref<!tpu.dma_semaphore, #tpu.memory_space<semaphore_mem>>)
      %dma_wait3A = arith.constant 0 : i32
      %dma_wait3A_34 = tpu.memref_slice %arg22[%dma_wait3A] : memref<2064xf32, #tpu.memory_space<vmem>> -> memref<2048xf32, #tpu.memory_space<vmem>>
      %dma_wait3A_35 = tpu.memref_slice %arg6[%mul3A_27] : memref<65536xf32, #tpu.memory_space<hbm>> -> memref<2048xf32, #tpu.memory_space<hbm>>
      %dma_wait3A_36 = tpu.memref_slice %arg6[%mul3A_27] : memref<65536xf32, #tpu.memory_space<hbm>> -> memref<2048xf32, #tpu.memory_space<hbm>>
      %dma_wait3A_37 = arith.constant 0 : i32
      %dma_wait3A_38 = tpu.memref_slice %arg22[%dma_wait3A_37] : memref<2064xf32, #tpu.memory_space<vmem>> -> memref<2048xf32, #tpu.memory_space<vmem>>
      tpu.wait_dma2 semaphore(%run_scoped3A_28 : memref<!tpu.dma_semaphore, #tpu.memory_space<semaphore_mem>>) src(%dma_wait3A_38 : memref<2048xf32, #tpu.memory_space<vmem>>) dst(%dma_wait3A_36 : memref<2048xf32, #tpu.memory_space<hbm>>)
      tpu.yield
    }) : () -> ()
    "tpu.region"() ({
      %run_scoped3A_28 = tpu.sem_alloc : memref<!tpu.dma_semaphore, #tpu.memory_space<semaphore_mem>>
      %dma_start3A = arith.constant 0 : i32
      %dma_start3A_29 = tpu.memref_slice %arg23[%dma_start3A] : memref<2064xf32, #tpu.memory_space<vmem>> -> memref<2048xf32, #tpu.memory_space<vmem>>
      %dma_start3A_30 = tpu.memref_slice %arg7[%mul3A_27] : memref<65536xf32, #tpu.memory_space<hbm>> -> memref<2048xf32, #tpu.memory_space<hbm>>
      %dma_start3A_31 = tpu.memref_slice %arg7[%mul3A_27] : memref<65536xf32, #tpu.memory_space<hbm>> -> memref<2048xf32, #tpu.memory_space<hbm>>
      %dma_start3A_32 = arith.constant 0 : i32
      %dma_start3A_33 = tpu.memref_slice %arg23[%dma_start3A_32] : memref<2064xf32, #tpu.memory_space<vmem>> -> memref<2048xf32, #tpu.memory_space<vmem>>
      tpu.enqueue_dma source(%dma_start3A_33 : memref<2048xf32, #tpu.memory_space<vmem>>) target(%dma_start3A_31 : memref<2048xf32, #tpu.memory_space<hbm>>) target_semaphore(%run_scoped3A_28 : memref<!tpu.dma_semaphore, #tpu.memory_space<semaphore_mem>>)
      %dma_wait3A = arith.constant 0 : i32
      %dma_wait3A_34 = tpu.memref_slice %arg23[%dma_wait3A] : memref<2064xf32, #tpu.memory_space<vmem>> -> memref<2048xf32, #tpu.memory_space<vmem>>
      %dma_wait3A_35 = tpu.memref_slice %arg7[%mul3A_27] : memref<65536xf32, #tpu.memory_space<hbm>> -> memref<2048xf32, #tpu.memory_space<hbm>>
      %dma_wait3A_36 = tpu.memref_slice %arg7[%mul3A_27] : memref<65536xf32, #tpu.memory_space<hbm>> -> memref<2048xf32, #tpu.memory_space<hbm>>
      %dma_wait3A_37 = arith.constant 0 : i32
      %dma_wait3A_38 = tpu.memref_slice %arg23[%dma_wait3A_37] : memref<2064xf32, #tpu.memory_space<vmem>> -> memref<2048xf32, #tpu.memory_space<vmem>>
      tpu.wait_dma2 semaphore(%run_scoped3A_28 : memref<!tpu.dma_semaphore, #tpu.memory_space<semaphore_mem>>) src(%dma_wait3A_38 : memref<2048xf32, #tpu.memory_space<vmem>>) dst(%dma_wait3A_36 : memref<2048xf32, #tpu.memory_space<hbm>>)
      tpu.yield
    }) : () -> ()
    "tpu.region"() ({
      %run_scoped3A_28 = tpu.sem_alloc : memref<!tpu.dma_semaphore, #tpu.memory_space<semaphore_mem>>
      %dma_start3A = arith.constant 0 : i32
      %dma_start3A_29 = tpu.memref_slice %arg24[%dma_start3A] : memref<2064xf32, #tpu.memory_space<vmem>> -> memref<2048xf32, #tpu.memory_space<vmem>>
      %dma_start3A_30 = tpu.memref_slice %arg8[%mul3A_27] : memref<65536xf32, #tpu.memory_space<hbm>> -> memref<2048xf32, #tpu.memory_space<hbm>>
      %dma_start3A_31 = tpu.memref_slice %arg8[%mul3A_27] : memref<65536xf32, #tpu.memory_space<hbm>> -> memref<2048xf32, #tpu.memory_space<hbm>>
      %dma_start3A_32 = arith.constant 0 : i32
      %dma_start3A_33 = tpu.memref_slice %arg24[%dma_start3A_32] : memref<2064xf32, #tpu.memory_space<vmem>> -> memref<2048xf32, #tpu.memory_space<vmem>>
      tpu.enqueue_dma source(%dma_start3A_33 : memref<2048xf32, #tpu.memory_space<vmem>>) target(%dma_start3A_31 : memref<2048xf32, #tpu.memory_space<hbm>>) target_semaphore(%run_scoped3A_28 : memref<!tpu.dma_semaphore, #tpu.memory_space<semaphore_mem>>)
      %dma_wait3A = arith.constant 0 : i32
      %dma_wait3A_34 = tpu.memref_slice %arg24[%dma_wait3A] : memref<2064xf32, #tpu.memory_space<vmem>> -> memref<2048xf32, #tpu.memory_space<vmem>>
      %dma_wait3A_35 = tpu.memref_slice %arg8[%mul3A_27] : memref<65536xf32, #tpu.memory_space<hbm>> -> memref<2048xf32, #tpu.memory_space<hbm>>
      %dma_wait3A_36 = tpu.memref_slice %arg8[%mul3A_27] : memref<65536xf32, #tpu.memory_space<hbm>> -> memref<2048xf32, #tpu.memory_space<hbm>>
      %dma_wait3A_37 = arith.constant 0 : i32
      %dma_wait3A_38 = tpu.memref_slice %arg24[%dma_wait3A_37] : memref<2064xf32, #tpu.memory_space<vmem>> -> memref<2048xf32, #tpu.memory_space<vmem>>
      tpu.wait_dma2 semaphore(%run_scoped3A_28 : memref<!tpu.dma_semaphore, #tpu.memory_space<semaphore_mem>>) src(%dma_wait3A_38 : memref<2048xf32, #tpu.memory_space<vmem>>) dst(%dma_wait3A_36 : memref<2048xf32, #tpu.memory_space<hbm>>)
      tpu.yield
    }) : () -> ()
    "tpu.region"() ({
      %run_scoped3A_28 = tpu.sem_alloc : memref<!tpu.dma_semaphore, #tpu.memory_space<semaphore_mem>>
      %dma_start3A = arith.constant 0 : i32
      %dma_start3A_29 = tpu.memref_slice %arg25[%dma_start3A] : memref<2064xf32, #tpu.memory_space<vmem>> -> memref<2048xf32, #tpu.memory_space<vmem>>
      %dma_start3A_30 = tpu.memref_slice %arg9[%mul3A_27] : memref<65536xf32, #tpu.memory_space<hbm>> -> memref<2048xf32, #tpu.memory_space<hbm>>
      %dma_start3A_31 = tpu.memref_slice %arg9[%mul3A_27] : memref<65536xf32, #tpu.memory_space<hbm>> -> memref<2048xf32, #tpu.memory_space<hbm>>
      %dma_start3A_32 = arith.constant 0 : i32
      %dma_start3A_33 = tpu.memref_slice %arg25[%dma_start3A_32] : memref<2064xf32, #tpu.memory_space<vmem>> -> memref<2048xf32, #tpu.memory_space<vmem>>
      tpu.enqueue_dma source(%dma_start3A_33 : memref<2048xf32, #tpu.memory_space<vmem>>) target(%dma_start3A_31 : memref<2048xf32, #tpu.memory_space<hbm>>) target_semaphore(%run_scoped3A_28 : memref<!tpu.dma_semaphore, #tpu.memory_space<semaphore_mem>>)
      %dma_wait3A = arith.constant 0 : i32
      %dma_wait3A_34 = tpu.memref_slice %arg25[%dma_wait3A] : memref<2064xf32, #tpu.memory_space<vmem>> -> memref<2048xf32, #tpu.memory_space<vmem>>
      %dma_wait3A_35 = tpu.memref_slice %arg9[%mul3A_27] : memref<65536xf32, #tpu.memory_space<hbm>> -> memref<2048xf32, #tpu.memory_space<hbm>>
      %dma_wait3A_36 = tpu.memref_slice %arg9[%mul3A_27] : memref<65536xf32, #tpu.memory_space<hbm>> -> memref<2048xf32, #tpu.memory_space<hbm>>
      %dma_wait3A_37 = arith.constant 0 : i32
      %dma_wait3A_38 = tpu.memref_slice %arg25[%dma_wait3A_37] : memref<2064xf32, #tpu.memory_space<vmem>> -> memref<2048xf32, #tpu.memory_space<vmem>>
      tpu.wait_dma2 semaphore(%run_scoped3A_28 : memref<!tpu.dma_semaphore, #tpu.memory_space<semaphore_mem>>) src(%dma_wait3A_38 : memref<2048xf32, #tpu.memory_space<vmem>>) dst(%dma_wait3A_36 : memref<2048xf32, #tpu.memory_space<hbm>>)
      tpu.yield
    }) : () -> ()
    "tpu.region"() ({
      %run_scoped3A_28 = tpu.sem_alloc : memref<!tpu.dma_semaphore, #tpu.memory_space<semaphore_mem>>
      %dma_start3A = arith.constant 0 : i32
      %dma_start3A_29 = tpu.memref_slice %arg26[%dma_start3A] : memref<2064xf32, #tpu.memory_space<vmem>> -> memref<2048xf32, #tpu.memory_space<vmem>>
      %dma_start3A_30 = tpu.memref_slice %arg10[%mul3A_27] : memref<65536xf32, #tpu.memory_space<hbm>> -> memref<2048xf32, #tpu.memory_space<hbm>>
      %dma_start3A_31 = tpu.memref_slice %arg10[%mul3A_27] : memref<65536xf32, #tpu.memory_space<hbm>> -> memref<2048xf32, #tpu.memory_space<hbm>>
      %dma_start3A_32 = arith.constant 0 : i32
      %dma_start3A_33 = tpu.memref_slice %arg26[%dma_start3A_32] : memref<2064xf32, #tpu.memory_space<vmem>> -> memref<2048xf32, #tpu.memory_space<vmem>>
      tpu.enqueue_dma source(%dma_start3A_33 : memref<2048xf32, #tpu.memory_space<vmem>>) target(%dma_start3A_31 : memref<2048xf32, #tpu.memory_space<hbm>>) target_semaphore(%run_scoped3A_28 : memref<!tpu.dma_semaphore, #tpu.memory_space<semaphore_mem>>)
      %dma_wait3A = arith.constant 0 : i32
      %dma_wait3A_34 = tpu.memref_slice %arg26[%dma_wait3A] : memref<2064xf32, #tpu.memory_space<vmem>> -> memref<2048xf32, #tpu.memory_space<vmem>>
      %dma_wait3A_35 = tpu.memref_slice %arg10[%mul3A_27] : memref<65536xf32, #tpu.memory_space<hbm>> -> memref<2048xf32, #tpu.memory_space<hbm>>
      %dma_wait3A_36 = tpu.memref_slice %arg10[%mul3A_27] : memref<65536xf32, #tpu.memory_space<hbm>> -> memref<2048xf32, #tpu.memory_space<hbm>>
      %dma_wait3A_37 = arith.constant 0 : i32
      %dma_wait3A_38 = tpu.memref_slice %arg26[%dma_wait3A_37] : memref<2064xf32, #tpu.memory_space<vmem>> -> memref<2048xf32, #tpu.memory_space<vmem>>
      tpu.wait_dma2 semaphore(%run_scoped3A_28 : memref<!tpu.dma_semaphore, #tpu.memory_space<semaphore_mem>>) src(%dma_wait3A_38 : memref<2048xf32, #tpu.memory_space<vmem>>) dst(%dma_wait3A_36 : memref<2048xf32, #tpu.memory_space<hbm>>)
      tpu.yield
    }) : () -> ()
    "tpu.region"() ({
      %run_scoped3A_28 = tpu.sem_alloc : memref<!tpu.dma_semaphore, #tpu.memory_space<semaphore_mem>>
      %dma_start3A = arith.constant 0 : i32
      %dma_start3A_29 = tpu.memref_slice %arg27[%dma_start3A] : memref<2064xf32, #tpu.memory_space<vmem>> -> memref<2048xf32, #tpu.memory_space<vmem>>
      %dma_start3A_30 = tpu.memref_slice %arg11[%mul3A_27] : memref<65536xf32, #tpu.memory_space<hbm>> -> memref<2048xf32, #tpu.memory_space<hbm>>
      %dma_start3A_31 = tpu.memref_slice %arg11[%mul3A_27] : memref<65536xf32, #tpu.memory_space<hbm>> -> memref<2048xf32, #tpu.memory_space<hbm>>
      %dma_start3A_32 = arith.constant 0 : i32
      %dma_start3A_33 = tpu.memref_slice %arg27[%dma_start3A_32] : memref<2064xf32, #tpu.memory_space<vmem>> -> memref<2048xf32, #tpu.memory_space<vmem>>
      tpu.enqueue_dma source(%dma_start3A_33 : memref<2048xf32, #tpu.memory_space<vmem>>) target(%dma_start3A_31 : memref<2048xf32, #tpu.memory_space<hbm>>) target_semaphore(%run_scoped3A_28 : memref<!tpu.dma_semaphore, #tpu.memory_space<semaphore_mem>>)
      %dma_wait3A = arith.constant 0 : i32
      %dma_wait3A_34 = tpu.memref_slice %arg27[%dma_wait3A] : memref<2064xf32, #tpu.memory_space<vmem>> -> memref<2048xf32, #tpu.memory_space<vmem>>
      %dma_wait3A_35 = tpu.memref_slice %arg11[%mul3A_27] : memref<65536xf32, #tpu.memory_space<hbm>> -> memref<2048xf32, #tpu.memory_space<hbm>>
      %dma_wait3A_36 = tpu.memref_slice %arg11[%mul3A_27] : memref<65536xf32, #tpu.memory_space<hbm>> -> memref<2048xf32, #tpu.memory_space<hbm>>
      %dma_wait3A_37 = arith.constant 0 : i32
      %dma_wait3A_38 = tpu.memref_slice %arg27[%dma_wait3A_37] : memref<2064xf32, #tpu.memory_space<vmem>> -> memref<2048xf32, #tpu.memory_space<vmem>>
      tpu.wait_dma2 semaphore(%run_scoped3A_28 : memref<!tpu.dma_semaphore, #tpu.memory_space<semaphore_mem>>) src(%dma_wait3A_38 : memref<2048xf32, #tpu.memory_space<vmem>>) dst(%dma_wait3A_36 : memref<2048xf32, #tpu.memory_space<hbm>>)
      tpu.yield
    }) : () -> ()
    "tpu.region"() ({
      %run_scoped3A_28 = tpu.sem_alloc : memref<!tpu.dma_semaphore, #tpu.memory_space<semaphore_mem>>
      %dma_start3A = arith.constant 0 : i32
      %dma_start3A_29 = tpu.memref_slice %arg28[%dma_start3A] : memref<2064xf32, #tpu.memory_space<vmem>> -> memref<2048xf32, #tpu.memory_space<vmem>>
      %dma_start3A_30 = tpu.memref_slice %arg12[%mul3A_27] : memref<65536xf32, #tpu.memory_space<hbm>> -> memref<2048xf32, #tpu.memory_space<hbm>>
      %dma_start3A_31 = tpu.memref_slice %arg12[%mul3A_27] : memref<65536xf32, #tpu.memory_space<hbm>> -> memref<2048xf32, #tpu.memory_space<hbm>>
      %dma_start3A_32 = arith.constant 0 : i32
      %dma_start3A_33 = tpu.memref_slice %arg28[%dma_start3A_32] : memref<2064xf32, #tpu.memory_space<vmem>> -> memref<2048xf32, #tpu.memory_space<vmem>>
      tpu.enqueue_dma source(%dma_start3A_33 : memref<2048xf32, #tpu.memory_space<vmem>>) target(%dma_start3A_31 : memref<2048xf32, #tpu.memory_space<hbm>>) target_semaphore(%run_scoped3A_28 : memref<!tpu.dma_semaphore, #tpu.memory_space<semaphore_mem>>)
      %dma_wait3A = arith.constant 0 : i32
      %dma_wait3A_34 = tpu.memref_slice %arg28[%dma_wait3A] : memref<2064xf32, #tpu.memory_space<vmem>> -> memref<2048xf32, #tpu.memory_space<vmem>>
      %dma_wait3A_35 = tpu.memref_slice %arg12[%mul3A_27] : memref<65536xf32, #tpu.memory_space<hbm>> -> memref<2048xf32, #tpu.memory_space<hbm>>
      %dma_wait3A_36 = tpu.memref_slice %arg12[%mul3A_27] : memref<65536xf32, #tpu.memory_space<hbm>> -> memref<2048xf32, #tpu.memory_space<hbm>>
      %dma_wait3A_37 = arith.constant 0 : i32
      %dma_wait3A_38 = tpu.memref_slice %arg28[%dma_wait3A_37] : memref<2064xf32, #tpu.memory_space<vmem>> -> memref<2048xf32, #tpu.memory_space<vmem>>
      tpu.wait_dma2 semaphore(%run_scoped3A_28 : memref<!tpu.dma_semaphore, #tpu.memory_space<semaphore_mem>>) src(%dma_wait3A_38 : memref<2048xf32, #tpu.memory_space<vmem>>) dst(%dma_wait3A_36 : memref<2048xf32, #tpu.memory_space<hbm>>)
      tpu.yield
    }) : () -> ()
    return
  }
}

module attributes {stable_mosaic.version = 14 : i64} {
  func.func @_enc_body(%arg0: memref<2048x8xf32, #tpu.memory_space<vmem>>, %arg1: memref<8x256xf32, #tpu.memory_space<vmem>>, %arg2: memref<1x256xf32, #tpu.memory_space<vmem>>, %arg3: memref<256x256xf32, #tpu.memory_space<vmem>>, %arg4: memref<1x256xf32, #tpu.memory_space<vmem>>, %arg5: memref<1x256xf32, #tpu.memory_space<vmem>>, %arg6: memref<1x256xf32, #tpu.memory_space<vmem>>, %arg7: memref<2048x256xf32, #tpu.memory_space<vmem>>) attributes {dimension_semantics = [], scalar_prefetch = 0 : i64, scratch_operands = 0 : i64, tpu.core_type = #tpu.core_type<tc>} {
    %get3A = arith.constant 0 : index
    %get3A_0 = arith.constant 0 : index
    %get3A_1 = vector.load %arg0[%get3A, %get3A_0] : memref<2048x8xf32, #tpu.memory_space<vmem>>, vector<2048x8xf32>
    %get3A_2 = arith.constant 0 : index
    %get3A_3 = arith.constant 0 : index
    %get3A_4 = vector.load %arg1[%get3A_2, %get3A_3] : memref<8x256xf32, #tpu.memory_space<vmem>>, vector<8x256xf32>
    %dot_general3A = arith.constant dense<0.000000e+00> : vector<2048x256xf32>
    %dot_general3A_5 = tpu.matmul %get3A_1, %get3A_4, %dot_general3A {dimension_numbers = #tpu.dot_dimension_numbers<[1], [0], [0], [1], [0, 0, 1, 1], [], []>, transpose_lhs_hint = false} : vector<2048x8xf32>, vector<8x256xf32>, vector<2048x256xf32> -> vector<2048x256xf32>
    %get3A_6 = arith.constant 0 : index
    %get3A_7 = arith.constant 0 : index
    %get3A_8 = vector.load %arg2[%get3A_6, %get3A_7] : memref<1x256xf32, #tpu.memory_space<vmem>>, vector<1x256xf32>
    %add3A = vector.broadcast %get3A_8 : vector<1x256xf32> to vector<2048x256xf32>
    %add3A_9 = arith.addf %dot_general3A_5, %add3A : vector<2048x256xf32>
    %max3A = arith.constant 0.000000e+00 : f32
    %max3A_10 = vector.broadcast %max3A : f32 to vector<2048x256xf32>
    %max3A_11 = arith.maximumf %add3A_9, %max3A_10 : vector<2048x256xf32>
    %get3A_12 = arith.constant 0 : index
    %get3A_13 = arith.constant 0 : index
    %get3A_14 = vector.load %arg3[%get3A_12, %get3A_13] : memref<256x256xf32, #tpu.memory_space<vmem>>, vector<256x256xf32>
    %dot_general3A_15 = arith.constant dense<0.000000e+00> : vector<2048x256xf32>
    %dot_general3A_16 = tpu.matmul %max3A_11, %get3A_14, %dot_general3A_15 {dimension_numbers = #tpu.dot_dimension_numbers<[1], [0], [0], [1], [0, 0, 1, 1], [], []>, transpose_lhs_hint = false} : vector<2048x256xf32>, vector<256x256xf32>, vector<2048x256xf32> -> vector<2048x256xf32>
    %get3A_17 = arith.constant 0 : index
    %get3A_18 = arith.constant 0 : index
    %get3A_19 = vector.load %arg4[%get3A_17, %get3A_18] : memref<1x256xf32, #tpu.memory_space<vmem>>, vector<1x256xf32>
    %add3A_20 = vector.broadcast %get3A_19 : vector<1x256xf32> to vector<2048x256xf32>
    %add3A_21 = arith.addf %dot_general3A_16, %add3A_20 : vector<2048x256xf32>
    %get3A_22 = arith.constant 0 : index
    %get3A_23 = arith.constant 0 : index
    %get3A_24 = vector.load %arg5[%get3A_22, %get3A_23] : memref<1x256xf32, #tpu.memory_space<vmem>>, vector<1x256xf32>
    %get3A_25 = arith.constant 0 : index
    %get3A_26 = arith.constant 0 : index
    %get3A_27 = vector.load %arg6[%get3A_25, %get3A_26] : memref<1x256xf32, #tpu.memory_space<vmem>>, vector<1x256xf32>
    %reduce_sum3A = arith.constant dense<0.000000e+00> : vector<2048xf32>
    %reduce_sum3A_28 = vector.multi_reduction <add>, %add3A_21, %reduce_sum3A [1] : vector<2048x256xf32> to vector<2048xf32>
    %broadcast_in_dim3A = vector.shape_cast %reduce_sum3A_28 : vector<2048xf32> to vector<2048x1xf32>
    %div3A = arith.constant 2.560000e+02 : f32
    %div3A_29 = vector.broadcast %div3A : f32 to vector<2048x1xf32>
    %div3A_30 = arith.divf %broadcast_in_dim3A, %div3A_29 : vector<2048x1xf32>
    %sub3A = vector.broadcast %div3A_30 : vector<2048x1xf32> to vector<2048x256xf32>
    %sub3A_31 = arith.subf %add3A_21, %sub3A : vector<2048x256xf32>
    %integer_pow3A = arith.mulf %sub3A_31, %sub3A_31 : vector<2048x256xf32>
    %reduce_sum3A_32 = arith.constant dense<0.000000e+00> : vector<2048xf32>
    %reduce_sum3A_33 = vector.multi_reduction <add>, %integer_pow3A, %reduce_sum3A_32 [1] : vector<2048x256xf32> to vector<2048xf32>
    %broadcast_in_dim3A_34 = vector.shape_cast %reduce_sum3A_33 : vector<2048xf32> to vector<2048x1xf32>
    %div3A_35 = arith.constant 2.560000e+02 : f32
    %div3A_36 = vector.broadcast %div3A_35 : f32 to vector<2048x1xf32>
    %div3A_37 = arith.divf %broadcast_in_dim3A_34, %div3A_36 : vector<2048x1xf32>
    %sub3A_38 = vector.broadcast %div3A_30 : vector<2048x1xf32> to vector<2048x256xf32>
    %sub3A_39 = arith.subf %add3A_21, %sub3A_38 : vector<2048x256xf32>
    %add3A_40 = arith.constant 9.99999974E-6 : f32
    %add3A_41 = vector.broadcast %add3A_40 : f32 to vector<2048x1xf32>
    %add3A_42 = arith.addf %div3A_37, %add3A_41 : vector<2048x1xf32>
    %rsqrt3A = math.rsqrt %add3A_42 : vector<2048x1xf32>
    %mul3A = vector.broadcast %rsqrt3A : vector<2048x1xf32> to vector<2048x256xf32>
    %mul3A_43 = arith.mulf %sub3A_39, %mul3A : vector<2048x256xf32>
    %mul3A_44 = vector.broadcast %get3A_24 : vector<1x256xf32> to vector<2048x256xf32>
    %mul3A_45 = arith.mulf %mul3A_43, %mul3A_44 : vector<2048x256xf32>
    %add3A_46 = vector.broadcast %get3A_27 : vector<1x256xf32> to vector<2048x256xf32>
    %add3A_47 = arith.addf %mul3A_45, %add3A_46 : vector<2048x256xf32>
    %swap3A = arith.constant 0 : index
    %swap3A_48 = arith.constant 0 : index
    %swap3A_49 = vector.load %arg7[%swap3A, %swap3A_48] : memref<2048x256xf32, #tpu.memory_space<vmem>>, vector<2048x256xf32>
    tpu.vector_store %arg7[%swap3A, %swap3A_48], %add3A_47 {strides = array<i32>} : memref<2048x256xf32, #tpu.memory_space<vmem>>, vector<2048x256xf32>,
    return
  }
}

module attributes {stable_mosaic.version = 14 : i64} {
  func.func @_uv_body(%arg0: memref<2048x256xf32, #tpu.memory_space<vmem>>, %arg1: memref<256x256xf32, #tpu.memory_space<vmem>>, %arg2: memref<256x256xf32, #tpu.memory_space<vmem>>, %arg3: memref<2048x256xf32, #tpu.memory_space<vmem>>, %arg4: memref<2048x256xf32, #tpu.memory_space<vmem>>) attributes {dimension_semantics = [], scalar_prefetch = 0 : i64, scratch_operands = 0 : i64, tpu.core_type = #tpu.core_type<tc>} {
    %get3A = arith.constant 0 : index
    %get3A_0 = arith.constant 0 : index
    %get3A_1 = vector.load %arg0[%get3A, %get3A_0] : memref<2048x256xf32, #tpu.memory_space<vmem>>, vector<2048x256xf32>
    %get3A_2 = arith.constant 0 : index
    %get3A_3 = arith.constant 0 : index
    %get3A_4 = vector.load %arg1[%get3A_2, %get3A_3] : memref<256x256xf32, #tpu.memory_space<vmem>>, vector<256x256xf32>
    %dot_general3A = arith.constant dense<0.000000e+00> : vector<2048x256xf32>
    %dot_general3A_5 = tpu.matmul %get3A_1, %get3A_4, %dot_general3A {dimension_numbers = #tpu.dot_dimension_numbers<[1], [0], [0], [1], [0, 0, 1, 1], [], []>, transpose_lhs_hint = false} : vector<2048x256xf32>, vector<256x256xf32>, vector<2048x256xf32> -> vector<2048x256xf32>
    %swap3A = arith.constant 0 : index
    %swap3A_6 = arith.constant 0 : index
    %swap3A_7 = vector.load %arg3[%swap3A, %swap3A_6] : memref<2048x256xf32, #tpu.memory_space<vmem>>, vector<2048x256xf32>
    tpu.vector_store %arg3[%swap3A, %swap3A_6], %dot_general3A_5 {strides = array<i32>} : memref<2048x256xf32, #tpu.memory_space<vmem>>, vector<2048x256xf32>,
    %get3A_8 = arith.constant 0 : index
    %get3A_9 = arith.constant 0 : index
    %get3A_10 = vector.load %arg0[%get3A_8, %get3A_9] : memref<2048x256xf32, #tpu.memory_space<vmem>>, vector<2048x256xf32>
    %get3A_11 = arith.constant 0 : index
    %get3A_12 = arith.constant 0 : index
    %get3A_13 = vector.load %arg2[%get3A_11, %get3A_12] : memref<256x256xf32, #tpu.memory_space<vmem>>, vector<256x256xf32>
    %dot_general3A_14 = arith.constant dense<0.000000e+00> : vector<2048x256xf32>
    %dot_general3A_15 = tpu.matmul %get3A_10, %get3A_13, %dot_general3A_14 {dimension_numbers = #tpu.dot_dimension_numbers<[1], [0], [0], [1], [0, 0, 1, 1], [], []>, transpose_lhs_hint = false} : vector<2048x256xf32>, vector<256x256xf32>, vector<2048x256xf32> -> vector<2048x256xf32>
    %swap3A_16 = arith.constant 0 : index
    %swap3A_17 = arith.constant 0 : index
    %swap3A_18 = vector.load %arg4[%swap3A_16, %swap3A_17] : memref<2048x256xf32, #tpu.memory_space<vmem>>, vector<2048x256xf32>
    tpu.vector_store %arg4[%swap3A_16, %swap3A_17], %dot_general3A_15 {strides = array<i32>} : memref<2048x256xf32, #tpu.memory_space<vmem>>, vector<2048x256xf32>,
    return
  }
}

module attributes {stable_mosaic.version = 14 : i64} {
  func.func @_eenc_body(%arg0: i32, %arg1: memref<4096x8xf32, #tpu.memory_space<vmem>>, %arg2: memref<8x256xf32, #tpu.memory_space<vmem>>, %arg3: memref<1x256xf32, #tpu.memory_space<vmem>>, %arg4: memref<256x256xf32, #tpu.memory_space<vmem>>, %arg5: memref<1x256xf32, #tpu.memory_space<vmem>>, %arg6: memref<1x256xf32, #tpu.memory_space<vmem>>, %arg7: memref<1x256xf32, #tpu.memory_space<vmem>>, %arg8: memref<4096x256xf32, #tpu.memory_space<vmem>>) attributes {dimension_semantics = [#tpu.dimension_semantics<arbitrary>], iteration_bounds = array<i64: 16>, scalar_prefetch = 0 : i64, scratch_operands = 0 : i64, tpu.core_type = #tpu.core_type<tc>, window_params = [{transform_indices = @transform_0, window_bounds = array<i64: 4096, 8>}, {pipeline_mode = #tpu.pipeline_mode<synchronous>, transform_indices = @transform_1, window_bounds = array<i64: 8, 256>}, {pipeline_mode = #tpu.pipeline_mode<synchronous>, transform_indices = @transform_2, window_bounds = array<i64: 1, 256>}, {pipeline_mode = #tpu.pipeline_mode<synchronous>, transform_indices = @transform_3, window_bounds = array<i64: 256, 256>}, {pipeline_mode = #tpu.pipeline_mode<synchronous>, transform_indices = @transform_4, window_bounds = array<i64: 1, 256>}, {pipeline_mode = #tpu.pipeline_mode<synchronous>, transform_indices = @transform_5, window_bounds = array<i64: 1, 256>}, {pipeline_mode = #tpu.pipeline_mode<synchronous>, transform_indices = @transform_6, window_bounds = array<i64: 1, 256>}, {transform_indices = @transform_7, window_bounds = array<i64: 4096, 256>}]} {
    %get3A = arith.constant 0 : index
    %get3A_0 = arith.constant 0 : index
    %get3A_1 = vector.load %arg1[%get3A, %get3A_0] : memref<4096x8xf32, #tpu.memory_space<vmem>>, vector<4096x8xf32>
    %iota3A = tpu.iota {dimensions = array<i32: 1>} : vector<4096x8xi32>
    %eq3A = arith.constant 3 : i32
    %eq3A_2 = vector.broadcast %eq3A : i32 to vector<4096x8xi32>
    %eq3A_3 = arith.cmpi eq, %iota3A, %eq3A_2 : vector<4096x8xi32>
    %max3A = arith.constant 0.000000e+00 : f32
    %max3A_4 = vector.broadcast %max3A : f32 to vector<4096x8xf32>
    %max3A_5 = arith.maximumf %get3A_1, %max3A_4 : vector<4096x8xf32>
    %sqrt3A = math.sqrt %max3A_5 : vector<4096x8xf32>
    %select_n3A = arith.select %eq3A_3, %sqrt3A, %get3A_1 : vector<4096x8xi1>, vector<4096x8xf32>
    %get3A_6 = arith.constant 0 : index
    %get3A_7 = arith.constant 0 : index
    %get3A_8 = vector.load %arg2[%get3A_6, %get3A_7] : memref<8x256xf32, #tpu.memory_space<vmem>>, vector<8x256xf32>
    %dot_general3A = arith.constant dense<0.000000e+00> : vector<4096x256xf32>
    %dot_general3A_9 = tpu.matmul %select_n3A, %get3A_8, %dot_general3A {dimension_numbers = #tpu.dot_dimension_numbers<[1], [0], [0], [1], [0, 0, 1, 1], [], []>, transpose_lhs_hint = false} : vector<4096x8xf32>, vector<8x256xf32>, vector<4096x256xf32> -> vector<4096x256xf32>
    %get3A_10 = arith.constant 0 : index
    %get3A_11 = arith.constant 0 : index
    %get3A_12 = vector.load %arg3[%get3A_10, %get3A_11] : memref<1x256xf32, #tpu.memory_space<vmem>>, vector<1x256xf32>
    %add3A = vector.broadcast %get3A_12 : vector<1x256xf32> to vector<4096x256xf32>
    %add3A_13 = arith.addf %dot_general3A_9, %add3A : vector<4096x256xf32>
    %max3A_14 = arith.constant 0.000000e+00 : f32
    %max3A_15 = vector.broadcast %max3A_14 : f32 to vector<4096x256xf32>
    %max3A_16 = arith.maximumf %add3A_13, %max3A_15 : vector<4096x256xf32>
    %get3A_17 = arith.constant 0 : index
    %get3A_18 = arith.constant 0 : index
    %get3A_19 = vector.load %arg4[%get3A_17, %get3A_18] : memref<256x256xf32, #tpu.memory_space<vmem>>, vector<256x256xf32>
    %dot_general3A_20 = arith.constant dense<0.000000e+00> : vector<4096x256xf32>
    %dot_general3A_21 = tpu.matmul %max3A_16, %get3A_19, %dot_general3A_20 {dimension_numbers = #tpu.dot_dimension_numbers<[1], [0], [0], [1], [0, 0, 1, 1], [], []>, transpose_lhs_hint = false} : vector<4096x256xf32>, vector<256x256xf32>, vector<4096x256xf32> -> vector<4096x256xf32>
    %get3A_22 = arith.constant 0 : index
    %get3A_23 = arith.constant 0 : index
    %get3A_24 = vector.load %arg5[%get3A_22, %get3A_23] : memref<1x256xf32, #tpu.memory_space<vmem>>, vector<1x256xf32>
    %add3A_25 = vector.broadcast %get3A_24 : vector<1x256xf32> to vector<4096x256xf32>
    %add3A_26 = arith.addf %dot_general3A_21, %add3A_25 : vector<4096x256xf32>
    %get3A_27 = arith.constant 0 : index
    %get3A_28 = arith.constant 0 : index
    %get3A_29 = vector.load %arg6[%get3A_27, %get3A_28] : memref<1x256xf32, #tpu.memory_space<vmem>>, vector<1x256xf32>
    %get3A_30 = arith.constant 0 : index
    %get3A_31 = arith.constant 0 : index
    %get3A_32 = vector.load %arg7[%get3A_30, %get3A_31] : memref<1x256xf32, #tpu.memory_space<vmem>>, vector<1x256xf32>
    %reduce_sum3A = arith.constant dense<0.000000e+00> : vector<4096xf32>
    %reduce_sum3A_33 = vector.multi_reduction <add>, %add3A_26, %reduce_sum3A [1] : vector<4096x256xf32> to vector<4096xf32>
    %broadcast_in_dim3A = vector.shape_cast %reduce_sum3A_33 : vector<4096xf32> to vector<4096x1xf32>
    %div3A = arith.constant 2.560000e+02 : f32
    %div3A_34 = vector.broadcast %div3A : f32 to vector<4096x1xf32>
    %div3A_35 = arith.divf %broadcast_in_dim3A, %div3A_34 : vector<4096x1xf32>
    %sub3A = vector.broadcast %div3A_35 : vector<4096x1xf32> to vector<4096x256xf32>
    %sub3A_36 = arith.subf %add3A_26, %sub3A : vector<4096x256xf32>
    %integer_pow3A = arith.mulf %sub3A_36, %sub3A_36 : vector<4096x256xf32>
    %reduce_sum3A_37 = arith.constant dense<0.000000e+00> : vector<4096xf32>
    %reduce_sum3A_38 = vector.multi_reduction <add>, %integer_pow3A, %reduce_sum3A_37 [1] : vector<4096x256xf32> to vector<4096xf32>
    %broadcast_in_dim3A_39 = vector.shape_cast %reduce_sum3A_38 : vector<4096xf32> to vector<4096x1xf32>
    %div3A_40 = arith.constant 2.560000e+02 : f32
    %div3A_41 = vector.broadcast %div3A_40 : f32 to vector<4096x1xf32>
    %div3A_42 = arith.divf %broadcast_in_dim3A_39, %div3A_41 : vector<4096x1xf32>
    %sub3A_43 = vector.broadcast %div3A_35 : vector<4096x1xf32> to vector<4096x256xf32>
    %sub3A_44 = arith.subf %add3A_26, %sub3A_43 : vector<4096x256xf32>
    %add3A_45 = arith.constant 9.99999974E-6 : f32
    %add3A_46 = vector.broadcast %add3A_45 : f32 to vector<4096x1xf32>
    %add3A_47 = arith.addf %div3A_42, %add3A_46 : vector<4096x1xf32>
    %rsqrt3A = math.rsqrt %add3A_47 : vector<4096x1xf32>
    %mul3A = vector.broadcast %rsqrt3A : vector<4096x1xf32> to vector<4096x256xf32>
    %mul3A_48 = arith.mulf %sub3A_44, %mul3A : vector<4096x256xf32>
    %mul3A_49 = vector.broadcast %get3A_29 : vector<1x256xf32> to vector<4096x256xf32>
    %mul3A_50 = arith.mulf %mul3A_48, %mul3A_49 : vector<4096x256xf32>
    %add3A_51 = vector.broadcast %get3A_32 : vector<1x256xf32> to vector<4096x256xf32>
    %add3A_52 = arith.addf %mul3A_50, %add3A_51 : vector<4096x256xf32>
    %swap3A = arith.constant 0 : index
    %swap3A_53 = arith.constant 0 : index
    %swap3A_54 = vector.load %arg8[%swap3A, %swap3A_53] : memref<4096x256xf32, #tpu.memory_space<vmem>>, vector<4096x256xf32>
    tpu.vector_store %arg8[%swap3A, %swap3A_53], %add3A_52 {strides = array<i32>} : memref<4096x256xf32, #tpu.memory_space<vmem>>, vector<4096x256xf32>,
    return
  }
  func.func @transform_0(%arg0: i32) -> (i32, i32) {
    %c0_i32 = arith.constant 0 : i32
    %c0_i32_0 = arith.constant 0 : i32
    return %arg0, %c0_i32 : i32, i32
  }
  func.func @transform_1(%arg0: i32) -> (i32, i32) {
    %c0_i32 = arith.constant 0 : i32
    %c0_i32_0 = arith.constant 0 : i32
    %c0_i32_1 = arith.constant 0 : i32
    return %c0_i32, %c0_i32_0 : i32, i32
  }
  func.func @transform_2(%arg0: i32) -> (i32, i32) {
    %c0_i32 = arith.constant 0 : i32
    %c0_i32_0 = arith.constant 0 : i32
    %c0_i32_1 = arith.constant 0 : i32
    return %c0_i32, %c0_i32_0 : i32, i32
  }
  func.func @transform_3(%arg0: i32) -> (i32, i32) {
    %c0_i32 = arith.constant 0 : i32
    %c0_i32_0 = arith.constant 0 : i32
    %c0_i32_1 = arith.constant 0 : i32
    return %c0_i32, %c0_i32_0 : i32, i32
  }
  func.func @transform_4(%arg0: i32) -> (i32, i32) {
    %c0_i32 = arith.constant 0 : i32
    %c0_i32_0 = arith.constant 0 : i32
    %c0_i32_1 = arith.constant 0 : i32
    return %c0_i32, %c0_i32_0 : i32, i32
  }
  func.func @transform_5(%arg0: i32) -> (i32, i32) {
    %c0_i32 = arith.constant 0 : i32
    %c0_i32_0 = arith.constant 0 : i32
    %c0_i32_1 = arith.constant 0 : i32
    return %c0_i32, %c0_i32_0 : i32, i32
  }
  func.func @transform_6(%arg0: i32) -> (i32, i32) {
    %c0_i32 = arith.constant 0 : i32
    %c0_i32_0 = arith.constant 0 : i32
    %c0_i32_1 = arith.constant 0 : i32
    return %c0_i32, %c0_i32_0 : i32, i32
  }
  func.func @transform_7(%arg0: i32) -> (i32, i32) {
    %c0_i32 = arith.constant 0 : i32
    %c0_i32_0 = arith.constant 0 : i32
    return %arg0, %c0_i32 : i32, i32
  }
}

module attributes {stable_mosaic.version = 14 : i64} {
  func.func @_emsg_body(%arg0: i32, %arg1: i32, %arg2: memref<1024x256xf32, #tpu.memory_space<vmem>>, %arg3: memref<1024x1xf32, #tpu.memory_space<vmem>>, %arg4: memref<1024x1xi32, #tpu.memory_space<vmem>>, %arg5: memref<1024x1xi32, #tpu.memory_space<vmem>>, %arg6: memref<64x256xf32, #tpu.memory_space<vmem>>, %arg7: memref<2048x256xf32, #tpu.memory_space<vmem>>, %arg8: memref<256x256xf32, #tpu.memory_space<vmem>>, %arg9: memref<1x256xf32, #tpu.memory_space<vmem>>, %arg10: memref<256x256xf32, #tpu.memory_space<vmem>>, %arg11: memref<1x256xf32, #tpu.memory_space<vmem>>, %arg12: memref<1x256xf32, #tpu.memory_space<vmem>>, %arg13: memref<1x256xf32, #tpu.memory_space<vmem>>, %arg14: memref<1x64x256xf32, #tpu.memory_space<vmem>>) attributes {dimension_semantics = [#tpu.dimension_semantics<arbitrary>, #tpu.dimension_semantics<arbitrary>], iteration_bounds = array<i64: 32, 2>, scalar_prefetch = 0 : i64, scratch_operands = 0 : i64, tpu.core_type = #tpu.core_type<tc>, window_params = [{transform_indices = @transform_0, window_bounds = array<i64: 1024, 256>}, {transform_indices = @transform_1, window_bounds = array<i64: 1024, 1>}, {transform_indices = @transform_2, window_bounds = array<i64: 1024, 1>}, {transform_indices = @transform_3, window_bounds = array<i64: 1024, 1>}, {transform_indices = @transform_4, window_bounds = array<i64: 64, 256>}, {pipeline_mode = #tpu.pipeline_mode<synchronous>, transform_indices = @transform_5, window_bounds = array<i64: 2048, 256>}, {pipeline_mode = #tpu.pipeline_mode<synchronous>, transform_indices = @transform_6, window_bounds = array<i64: 256, 256>}, {pipeline_mode = #tpu.pipeline_mode<synchronous>, transform_indices = @transform_7, window_bounds = array<i64: 1, 256>}, {pipeline_mode = #tpu.pipeline_mode<synchronous>, transform_indices = @transform_8, window_bounds = array<i64: 256, 256>}, {pipeline_mode = #tpu.pipeline_mode<synchronous>, transform_indices = @transform_9, window_bounds = array<i64: 1, 256>}, {pipeline_mode = #tpu.pipeline_mode<synchronous>, transform_indices = @transform_10, window_bounds = array<i64: 1, 256>}, {pipeline_mode = #tpu.pipeline_mode<synchronous>, transform_indices = @transform_11, window_bounds = array<i64: 1, 256>}, {transform_indices = @transform_12, window_bounds = array<i64: 1, 64, 256>}]} {
    %get3A = arith.constant 0 : index
    %get3A_0 = arith.constant 0 : index
    %get3A_1 = vector.load %arg4[%get3A, %get3A_0] : memref<1024x1xi32, #tpu.memory_space<vmem>>, vector<1024x1xi32>
    %mul3A = arith.constant 64 : i32
    %mul3A_2 = arith.muli %arg0, %mul3A : i32
    %sub3A = vector.broadcast %mul3A_2 : i32 to vector<1024x1xi32>
    %sub3A_3 = arith.subi %get3A_1, %sub3A : vector<1024x1xi32>
    %iota3A = tpu.iota {dimensions = array<i32: 1>} : vector<1024x64xi32>
    %eq3A = vector.broadcast %sub3A_3 : vector<1024x1xi32> to vector<1024x64xi32>
    %eq3A_4 = arith.cmpi eq, %eq3A, %iota3A : vector<1024x64xi32>
    %convert_element_type3A = arith.extui %eq3A_4 : vector<1024x64xi1> to vector<1024x64xi32>
    %convert_element_type3A_5 = arith.sitofp %convert_element_type3A : vector<1024x64xi32> to vector<1024x64xf32>
    %get3A_6 = arith.constant 0 : index
    %get3A_7 = arith.constant 0 : index
    %get3A_8 = vector.load %arg6[%get3A_6, %get3A_7] : memref<64x256xf32, #tpu.memory_space<vmem>>, vector<64x256xf32>
    %dot_general3A = arith.constant dense<0.000000e+00> : vector<1024x256xf32>
    %dot_general3A_9 = tpu.matmul %convert_element_type3A_5, %get3A_8, %dot_general3A {dimension_numbers = #tpu.dot_dimension_numbers<[1], [0], [0], [1], [0, 0, 1, 1], [], []>, transpose_lhs_hint = false} : vector<1024x64xf32>, vector<64x256xf32>, vector<1024x256xf32> -> vector<1024x256xf32>
    %iota3A_10 = tpu.iota {dimensions = array<i32: 1>} : vector<1024x2048xi32>
    %get3A_11 = arith.constant 0 : index
    %get3A_12 = arith.constant 0 : index
    %get3A_13 = vector.load %arg5[%get3A_11, %get3A_12] : memref<1024x1xi32, #tpu.memory_space<vmem>>, vector<1024x1xi32>
    %eq3A_14 = vector.broadcast %get3A_13 : vector<1024x1xi32> to vector<1024x2048xi32>
    %eq3A_15 = arith.cmpi eq, %eq3A_14, %iota3A_10 : vector<1024x2048xi32>
    %convert_element_type3A_16 = arith.extui %eq3A_15 : vector<1024x2048xi1> to vector<1024x2048xi32>
    %convert_element_type3A_17 = arith.sitofp %convert_element_type3A_16 : vector<1024x2048xi32> to vector<1024x2048xf32>
    %get3A_18 = arith.constant 0 : index
    %get3A_19 = arith.constant 0 : index
    %get3A_20 = vector.load %arg7[%get3A_18, %get3A_19] : memref<2048x256xf32, #tpu.memory_space<vmem>>, vector<2048x256xf32>
    %dot_general3A_21 = arith.constant dense<0.000000e+00> : vector<1024x256xf32>
    %dot_general3A_22 = tpu.matmul %convert_element_type3A_17, %get3A_20, %dot_general3A_21 {dimension_numbers = #tpu.dot_dimension_numbers<[1], [0], [0], [1], [0, 0, 1, 1], [], []>, transpose_lhs_hint = false} : vector<1024x2048xf32>, vector<2048x256xf32>, vector<1024x256xf32> -> vector<1024x256xf32>
    %get3A_23 = arith.constant 0 : index
    %get3A_24 = arith.constant 0 : index
    %get3A_25 = vector.load %arg2[%get3A_23, %get3A_24] : memref<1024x256xf32, #tpu.memory_space<vmem>>, vector<1024x256xf32>
    %get3A_26 = arith.constant 0 : index
    %get3A_27 = arith.constant 0 : index
    %get3A_28 = vector.load %arg8[%get3A_26, %get3A_27] : memref<256x256xf32, #tpu.memory_space<vmem>>, vector<256x256xf32>
    %dot_general3A_29 = arith.constant dense<0.000000e+00> : vector<1024x256xf32>
    %dot_general3A_30 = tpu.matmul %get3A_25, %get3A_28, %dot_general3A_29 {dimension_numbers = #tpu.dot_dimension_numbers<[1], [0], [0], [1], [0, 0, 1, 1], [], []>, transpose_lhs_hint = false} : vector<1024x256xf32>, vector<256x256xf32>, vector<1024x256xf32> -> vector<1024x256xf32>
    %add3A = arith.addf %dot_general3A_30, %dot_general3A_9 : vector<1024x256xf32>
    %add3A_31 = arith.addf %add3A, %dot_general3A_22 : vector<1024x256xf32>
    %get3A_32 = arith.constant 0 : index
    %get3A_33 = arith.constant 0 : index
    %get3A_34 = vector.load %arg9[%get3A_32, %get3A_33] : memref<1x256xf32, #tpu.memory_space<vmem>>, vector<1x256xf32>
    %add3A_35 = vector.broadcast %get3A_34 : vector<1x256xf32> to vector<1024x256xf32>
    %add3A_36 = arith.addf %add3A_31, %add3A_35 : vector<1024x256xf32>
    %max3A = arith.constant 0.000000e+00 : f32
    %max3A_37 = vector.broadcast %max3A : f32 to vector<1024x256xf32>
    %max3A_38 = arith.maximumf %add3A_36, %max3A_37 : vector<1024x256xf32>
    %get3A_39 = arith.constant 0 : index
    %get3A_40 = arith.constant 0 : index
    %get3A_41 = vector.load %arg10[%get3A_39, %get3A_40] : memref<256x256xf32, #tpu.memory_space<vmem>>, vector<256x256xf32>
    %dot_general3A_42 = arith.constant dense<0.000000e+00> : vector<1024x256xf32>
    %dot_general3A_43 = tpu.matmul %max3A_38, %get3A_41, %dot_general3A_42 {dimension_numbers = #tpu.dot_dimension_numbers<[1], [0], [0], [1], [0, 0, 1, 1], [], []>, transpose_lhs_hint = false} : vector<1024x256xf32>, vector<256x256xf32>, vector<1024x256xf32> -> vector<1024x256xf32>
    %get3A_44 = arith.constant 0 : index
    %get3A_45 = arith.constant 0 : index
    %get3A_46 = vector.load %arg11[%get3A_44, %get3A_45] : memref<1x256xf32, #tpu.memory_space<vmem>>, vector<1x256xf32>
    %add3A_47 = vector.broadcast %get3A_46 : vector<1x256xf32> to vector<1024x256xf32>
    %add3A_48 = arith.addf %dot_general3A_43, %add3A_47 : vector<1024x256xf32>
    %get3A_49 = arith.constant 0 : index
    %get3A_50 = arith.constant 0 : index
    %get3A_51 = vector.load %arg12[%get3A_49, %get3A_50] : memref<1x256xf32, #tpu.memory_space<vmem>>, vector<1x256xf32>
    %get3A_52 = arith.constant 0 : index
    %get3A_53 = arith.constant 0 : index
    %get3A_54 = vector.load %arg13[%get3A_52, %get3A_53] : memref<1x256xf32, #tpu.memory_space<vmem>>, vector<1x256xf32>
    %reduce_sum3A = arith.constant dense<0.000000e+00> : vector<1024xf32>
    %reduce_sum3A_55 = vector.multi_reduction <add>, %add3A_48, %reduce_sum3A [1] : vector<1024x256xf32> to vector<1024xf32>
    %broadcast_in_dim3A = vector.shape_cast %reduce_sum3A_55 : vector<1024xf32> to vector<1024x1xf32>
    %div3A = arith.constant 2.560000e+02 : f32
    %div3A_56 = vector.broadcast %div3A : f32 to vector<1024x1xf32>
    %div3A_57 = arith.divf %broadcast_in_dim3A, %div3A_56 : vector<1024x1xf32>
    %sub3A_58 = vector.broadcast %div3A_57 : vector<1024x1xf32> to vector<1024x256xf32>
    %sub3A_59 = arith.subf %add3A_48, %sub3A_58 : vector<1024x256xf32>
    %integer_pow3A = arith.mulf %sub3A_59, %sub3A_59 : vector<1024x256xf32>
    %reduce_sum3A_60 = arith.constant dense<0.000000e+00> : vector<1024xf32>
    %reduce_sum3A_61 = vector.multi_reduction <add>, %integer_pow3A, %reduce_sum3A_60 [1] : vector<1024x256xf32> to vector<1024xf32>
    %broadcast_in_dim3A_62 = vector.shape_cast %reduce_sum3A_61 : vector<1024xf32> to vector<1024x1xf32>
    %div3A_63 = arith.constant 2.560000e+02 : f32
    %div3A_64 = vector.broadcast %div3A_63 : f32 to vector<1024x1xf32>
    %div3A_65 = arith.divf %broadcast_in_dim3A_62, %div3A_64 : vector<1024x1xf32>
    %sub3A_66 = vector.broadcast %div3A_57 : vector<1024x1xf32> to vector<1024x256xf32>
    %sub3A_67 = arith.subf %add3A_48, %sub3A_66 : vector<1024x256xf32>
    %add3A_68 = arith.constant 9.99999974E-6 : f32
    %add3A_69 = vector.broadcast %add3A_68 : f32 to vector<1024x1xf32>
    %add3A_70 = arith.addf %div3A_65, %add3A_69 : vector<1024x1xf32>
    %rsqrt3A = math.rsqrt %add3A_70 : vector<1024x1xf32>
    %mul3A_71 = vector.broadcast %rsqrt3A : vector<1024x1xf32> to vector<1024x256xf32>
    %mul3A_72 = arith.mulf %sub3A_67, %mul3A_71 : vector<1024x256xf32>
    %mul3A_73 = vector.broadcast %get3A_51 : vector<1x256xf32> to vector<1024x256xf32>
    %mul3A_74 = arith.mulf %mul3A_72, %mul3A_73 : vector<1024x256xf32>
    %add3A_75 = vector.broadcast %get3A_54 : vector<1x256xf32> to vector<1024x256xf32>
    %add3A_76 = arith.addf %mul3A_74, %add3A_75 : vector<1024x256xf32>
    %get3A_77 = arith.constant 0 : index
    %get3A_78 = arith.constant 0 : index
    %get3A_79 = vector.load %arg3[%get3A_77, %get3A_78] : memref<1024x1xf32, #tpu.memory_space<vmem>>, vector<1024x1xf32>
    %mul3A_80 = vector.broadcast %get3A_79 : vector<1024x1xf32> to vector<1024x256xf32>
    %mul3A_81 = arith.mulf %add3A_76, %mul3A_80 : vector<1024x256xf32>
    %dot_general3A_82 = arith.constant dense<0.000000e+00> : vector<64x256xf32>
    %dot_general3A_83 = tpu.matmul %convert_element_type3A_5, %mul3A_81, %dot_general3A_82 {dimension_numbers = #tpu.dot_dimension_numbers<[0], [0], [1], [1], [0, 1, 1, 1], [], []>, transpose_lhs_hint = false} : vector<1024x64xf32>, vector<1024x256xf32>, vector<64x256xf32> -> vector<64x256xf32>
    %eq3A_84 = arith.constant 0 : i32
    %eq3A_85 = arith.cmpi eq, %arg1, %eq3A_84 : i32
    %convert_element_type3A_86 = arith.extui %eq3A_85 : i1 to i32
    %cond3A = arith.constant 0 : i32
    %cond3A_87 = arith.cmpi ne, %convert_element_type3A_86, %cond3A : i32
    scf.if %cond3A_87 {
      %broadcast_in_dim3A_97 = arith.constant 0.000000e+00 : f32
      %broadcast_in_dim3A_98 = vector.broadcast %broadcast_in_dim3A_97 : f32 to vector<1x64x256xf32>
      %swap3A_99 = arith.constant 0 : index
      %swap3A_100 = arith.constant 0 : index
      %swap3A_101 = arith.constant 0 : index
      %swap3A_102 = vector.load %arg14[%swap3A_99, %swap3A_100, %swap3A_101] : memref<1x64x256xf32, #tpu.memory_space<vmem>>, vector<1x64x256xf32>
      tpu.vector_store %arg14[%swap3A_99, %swap3A_100, %swap3A_101], %broadcast_in_dim3A_98 {strides = array<i32>} : memref<1x64x256xf32, #tpu.memory_space<vmem>>, vector<1x64x256xf32>,
    } else {
    }
    %get3A_88 = arith.constant 0 : index
    %get3A_89 = arith.constant 0 : index
    %get3A_90 = arith.constant 0 : index
    %get3A_91 = vector.load %arg14[%get3A_88, %get3A_89, %get3A_90] : memref<1x64x256xf32, #tpu.memory_space<vmem>>, vector<1x64x256xf32>
    %broadcast_in_dim3A_92 = vector.shape_cast %dot_general3A_83 : vector<64x256xf32> to vector<1x64x256xf32>
    %add3A_93 = arith.addf %get3A_91, %broadcast_in_dim3A_92 : vector<1x64x256xf32>
    %swap3A = arith.constant 0 : index
    %swap3A_94 = arith.constant 0 : index
    %swap3A_95 = arith.constant 0 : index
    %swap3A_96 = vector.load %arg14[%swap3A, %swap3A_94, %swap3A_95] : memref<1x64x256xf32, #tpu.memory_space<vmem>>, vector<1x64x256xf32>
    tpu.vector_store %arg14[%swap3A, %swap3A_94, %swap3A_95], %add3A_93 {strides = array<i32>} : memref<1x64x256xf32, #tpu.memory_space<vmem>>, vector<1x64x256xf32>,
    return
  }
  func.func @transform_0(%arg0: i32, %arg1: i32) -> (i32, i32) {
    %mul3A = arith.constant 2 : i32
    %mul3A_0 = arith.muli %arg0, %mul3A : i32
    %add3A = arith.addi %mul3A_0, %arg1 : i32
    %c0_i32 = arith.constant 0 : i32
    %c0_i32_1 = arith.constant 0 : i32
    return %add3A, %c0_i32 : i32, i32
  }
  func.func @transform_1(%arg0: i32, %arg1: i32) -> (i32, i32) {
    %mul3A = arith.constant 2 : i32
    %mul3A_0 = arith.muli %arg0, %mul3A : i32
    %add3A = arith.addi %mul3A_0, %arg1 : i32
    %c0_i32 = arith.constant 0 : i32
    %c0_i32_1 = arith.constant 0 : i32
    return %add3A, %c0_i32 : i32, i32
  }
  func.func @transform_2(%arg0: i32, %arg1: i32) -> (i32, i32) {
    %mul3A = arith.constant 2 : i32
    %mul3A_0 = arith.muli %arg0, %mul3A : i32
    %add3A = arith.addi %mul3A_0, %arg1 : i32
    %c0_i32 = arith.constant 0 : i32
    %c0_i32_1 = arith.constant 0 : i32
    return %add3A, %c0_i32 : i32, i32
  }
  func.func @transform_3(%arg0: i32, %arg1: i32) -> (i32, i32) {
    %mul3A = arith.constant 2 : i32
    %mul3A_0 = arith.muli %arg0, %mul3A : i32
    %add3A = arith.addi %mul3A_0, %arg1 : i32
    %c0_i32 = arith.constant 0 : i32
    %c0_i32_1 = arith.constant 0 : i32
    return %add3A, %c0_i32 : i32, i32
  }
  func.func @transform_4(%arg0: i32, %arg1: i32) -> (i32, i32) {
    %c0_i32 = arith.constant 0 : i32
    %c0_i32_0 = arith.constant 0 : i32
    return %arg0, %c0_i32 : i32, i32
  }
  func.func @transform_5(%arg0: i32, %arg1: i32) -> (i32, i32) {
    %c0_i32 = arith.constant 0 : i32
    %c0_i32_0 = arith.constant 0 : i32
    %c0_i32_1 = arith.constant 0 : i32
    return %c0_i32, %c0_i32_0 : i32, i32
  }
  func.func @transform_6(%arg0: i32, %arg1: i32) -> (i32, i32) {
    %c0_i32 = arith.constant 0 : i32
    %c0_i32_0 = arith.constant 0 : i32
    %c0_i32_1 = arith.constant 0 : i32
    return %c0_i32, %c0_i32_0 : i32, i32
  }
  func.func @transform_7(%arg0: i32, %arg1: i32) -> (i32, i32) {
    %c0_i32 = arith.constant 0 : i32
    %c0_i32_0 = arith.constant 0 : i32
    %c0_i32_1 = arith.constant 0 : i32
    return %c0_i32, %c0_i32_0 : i32, i32
  }
  func.func @transform_8(%arg0: i32, %arg1: i32) -> (i32, i32) {
    %c0_i32 = arith.constant 0 : i32
    %c0_i32_0 = arith.constant 0 : i32
    %c0_i32_1 = arith.constant 0 : i32
    return %c0_i32, %c0_i32_0 : i32, i32
  }
  func.func @transform_9(%arg0: i32, %arg1: i32) -> (i32, i32) {
    %c0_i32 = arith.constant 0 : i32
    %c0_i32_0 = arith.constant 0 : i32
    %c0_i32_1 = arith.constant 0 : i32
    return %c0_i32, %c0_i32_0 : i32, i32
  }
  func.func @transform_10(%arg0: i32, %arg1: i32) -> (i32, i32) {
    %c0_i32 = arith.constant 0 : i32
    %c0_i32_0 = arith.constant 0 : i32
    %c0_i32_1 = arith.constant 0 : i32
    return %c0_i32, %c0_i32_0 : i32, i32
  }
  func.func @transform_11(%arg0: i32, %arg1: i32) -> (i32, i32) {
    %c0_i32 = arith.constant 0 : i32
    %c0_i32_0 = arith.constant 0 : i32
    %c0_i32_1 = arith.constant 0 : i32
    return %c0_i32, %c0_i32_0 : i32, i32
  }
  func.func @transform_12(%arg0: i32, %arg1: i32) -> (i32, i32, i32) {
    %c0_i32 = arith.constant 0 : i32
    %c0_i32_0 = arith.constant 0 : i32
    %c0_i32_1 = arith.constant 0 : i32
    return %arg0, %c0_i32, %c0_i32_0 : i32, i32, i32
  }
}

module attributes {stable_mosaic.version = 14 : i64} {
  func.func @_node_body(%arg0: memref<2048x256xf32, #tpu.memory_space<vmem>>, %arg1: memref<2048x256xf32, #tpu.memory_space<vmem>>, %arg2: memref<256x256xf32, #tpu.memory_space<vmem>>, %arg3: memref<256x256xf32, #tpu.memory_space<vmem>>, %arg4: memref<1x256xf32, #tpu.memory_space<vmem>>, %arg5: memref<256x256xf32, #tpu.memory_space<vmem>>, %arg6: memref<1x256xf32, #tpu.memory_space<vmem>>, %arg7: memref<1x256xf32, #tpu.memory_space<vmem>>, %arg8: memref<1x256xf32, #tpu.memory_space<vmem>>, %arg9: memref<2048x256xf32, #tpu.memory_space<vmem>>) attributes {dimension_semantics = [], scalar_prefetch = 0 : i64, scratch_operands = 0 : i64, tpu.core_type = #tpu.core_type<tc>} {
    %get3A = arith.constant 0 : index
    %get3A_0 = arith.constant 0 : index
    %get3A_1 = vector.load %arg0[%get3A, %get3A_0] : memref<2048x256xf32, #tpu.memory_space<vmem>>, vector<2048x256xf32>
    %get3A_2 = arith.constant 0 : index
    %get3A_3 = arith.constant 0 : index
    %get3A_4 = vector.load %arg2[%get3A_2, %get3A_3] : memref<256x256xf32, #tpu.memory_space<vmem>>, vector<256x256xf32>
    %dot_general3A = arith.constant dense<0.000000e+00> : vector<2048x256xf32>
    %dot_general3A_5 = tpu.matmul %get3A_1, %get3A_4, %dot_general3A {dimension_numbers = #tpu.dot_dimension_numbers<[1], [0], [0], [1], [0, 0, 1, 1], [], []>, transpose_lhs_hint = false} : vector<2048x256xf32>, vector<256x256xf32>, vector<2048x256xf32> -> vector<2048x256xf32>
    %get3A_6 = arith.constant 0 : index
    %get3A_7 = arith.constant 0 : index
    %get3A_8 = vector.load %arg1[%get3A_6, %get3A_7] : memref<2048x256xf32, #tpu.memory_space<vmem>>, vector<2048x256xf32>
    %get3A_9 = arith.constant 0 : index
    %get3A_10 = arith.constant 0 : index
    %get3A_11 = vector.load %arg3[%get3A_9, %get3A_10] : memref<256x256xf32, #tpu.memory_space<vmem>>, vector<256x256xf32>
    %dot_general3A_12 = arith.constant dense<0.000000e+00> : vector<2048x256xf32>
    %dot_general3A_13 = tpu.matmul %get3A_8, %get3A_11, %dot_general3A_12 {dimension_numbers = #tpu.dot_dimension_numbers<[1], [0], [0], [1], [0, 0, 1, 1], [], []>, transpose_lhs_hint = false} : vector<2048x256xf32>, vector<256x256xf32>, vector<2048x256xf32> -> vector<2048x256xf32>
    %add3A = arith.addf %dot_general3A_5, %dot_general3A_13 : vector<2048x256xf32>
    %get3A_14 = arith.constant 0 : index
    %get3A_15 = arith.constant 0 : index
    %get3A_16 = vector.load %arg4[%get3A_14, %get3A_15] : memref<1x256xf32, #tpu.memory_space<vmem>>, vector<1x256xf32>
    %add3A_17 = vector.broadcast %get3A_16 : vector<1x256xf32> to vector<2048x256xf32>
    %add3A_18 = arith.addf %add3A, %add3A_17 : vector<2048x256xf32>
    %max3A = arith.constant 0.000000e+00 : f32
    %max3A_19 = vector.broadcast %max3A : f32 to vector<2048x256xf32>
    %max3A_20 = arith.maximumf %add3A_18, %max3A_19 : vector<2048x256xf32>
    %get3A_21 = arith.constant 0 : index
    %get3A_22 = arith.constant 0 : index
    %get3A_23 = vector.load %arg5[%get3A_21, %get3A_22] : memref<256x256xf32, #tpu.memory_space<vmem>>, vector<256x256xf32>
    %dot_general3A_24 = arith.constant dense<0.000000e+00> : vector<2048x256xf32>
    %dot_general3A_25 = tpu.matmul %max3A_20, %get3A_23, %dot_general3A_24 {dimension_numbers = #tpu.dot_dimension_numbers<[1], [0], [0], [1], [0, 0, 1, 1], [], []>, transpose_lhs_hint = false} : vector<2048x256xf32>, vector<256x256xf32>, vector<2048x256xf32> -> vector<2048x256xf32>
    %get3A_26 = arith.constant 0 : index
    %get3A_27 = arith.constant 0 : index
    %get3A_28 = vector.load %arg6[%get3A_26, %get3A_27] : memref<1x256xf32, #tpu.memory_space<vmem>>, vector<1x256xf32>
    %add3A_29 = vector.broadcast %get3A_28 : vector<1x256xf32> to vector<2048x256xf32>
    %add3A_30 = arith.addf %dot_general3A_25, %add3A_29 : vector<2048x256xf32>
    %get3A_31 = arith.constant 0 : index
    %get3A_32 = arith.constant 0 : index
    %get3A_33 = vector.load %arg0[%get3A_31, %get3A_32] : memref<2048x256xf32, #tpu.memory_space<vmem>>, vector<2048x256xf32>
    %get3A_34 = arith.constant 0 : index
    %get3A_35 = arith.constant 0 : index
    %get3A_36 = vector.load %arg7[%get3A_34, %get3A_35] : memref<1x256xf32, #tpu.memory_space<vmem>>, vector<1x256xf32>
    %get3A_37 = arith.constant 0 : index
    %get3A_38 = arith.constant 0 : index
    %get3A_39 = vector.load %arg8[%get3A_37, %get3A_38] : memref<1x256xf32, #tpu.memory_space<vmem>>, vector<1x256xf32>
    %reduce_sum3A = arith.constant dense<0.000000e+00> : vector<2048xf32>
    %reduce_sum3A_40 = vector.multi_reduction <add>, %add3A_30, %reduce_sum3A [1] : vector<2048x256xf32> to vector<2048xf32>
    %broadcast_in_dim3A = vector.shape_cast %reduce_sum3A_40 : vector<2048xf32> to vector<2048x1xf32>
    %div3A = arith.constant 2.560000e+02 : f32
    %div3A_41 = vector.broadcast %div3A : f32 to vector<2048x1xf32>
    %div3A_42 = arith.divf %broadcast_in_dim3A, %div3A_41 : vector<2048x1xf32>
    %sub3A = vector.broadcast %div3A_42 : vector<2048x1xf32> to vector<2048x256xf32>
    %sub3A_43 = arith.subf %add3A_30, %sub3A : vector<2048x256xf32>
    %integer_pow3A = arith.mulf %sub3A_43, %sub3A_43 : vector<2048x256xf32>
    %reduce_sum3A_44 = arith.constant dense<0.000000e+00> : vector<2048xf32>
    %reduce_sum3A_45 = vector.multi_reduction <add>, %integer_pow3A, %reduce_sum3A_44 [1] : vector<2048x256xf32> to vector<2048xf32>
    %broadcast_in_dim3A_46 = vector.shape_cast %reduce_sum3A_45 : vector<2048xf32> to vector<2048x1xf32>
    %div3A_47 = arith.constant 2.560000e+02 : f32
    %div3A_48 = vector.broadcast %div3A_47 : f32 to vector<2048x1xf32>
    %div3A_49 = arith.divf %broadcast_in_dim3A_46, %div3A_48 : vector<2048x1xf32>
    %sub3A_50 = vector.broadcast %div3A_42 : vector<2048x1xf32> to vector<2048x256xf32>
    %sub3A_51 = arith.subf %add3A_30, %sub3A_50 : vector<2048x256xf32>
    %add3A_52 = arith.constant 9.99999974E-6 : f32
    %add3A_53 = vector.broadcast %add3A_52 : f32 to vector<2048x1xf32>
    %add3A_54 = arith.addf %div3A_49, %add3A_53 : vector<2048x1xf32>
    %rsqrt3A = math.rsqrt %add3A_54 : vector<2048x1xf32>
    %mul3A = vector.broadcast %rsqrt3A : vector<2048x1xf32> to vector<2048x256xf32>
    %mul3A_55 = arith.mulf %sub3A_51, %mul3A : vector<2048x256xf32>
    %mul3A_56 = vector.broadcast %get3A_36 : vector<1x256xf32> to vector<2048x256xf32>
    %mul3A_57 = arith.mulf %mul3A_55, %mul3A_56 : vector<2048x256xf32>
    %add3A_58 = vector.broadcast %get3A_39 : vector<1x256xf32> to vector<2048x256xf32>
    %add3A_59 = arith.addf %mul3A_57, %add3A_58 : vector<2048x256xf32>
    %add3A_60 = arith.addf %get3A_33, %add3A_59 : vector<2048x256xf32>
    %swap3A = arith.constant 0 : index
    %swap3A_61 = arith.constant 0 : index
    %swap3A_62 = vector.load %arg9[%swap3A, %swap3A_61] : memref<2048x256xf32, #tpu.memory_space<vmem>>, vector<2048x256xf32>
    tpu.vector_store %arg9[%swap3A, %swap3A_61], %add3A_60 {strides = array<i32>} : memref<2048x256xf32, #tpu.memory_space<vmem>>, vector<2048x256xf32>,
    return
  }
}

module attributes {stable_mosaic.version = 14 : i64} {
  func.func @_dec_body(%arg0: memref<2048x256xf32, #tpu.memory_space<vmem>>, %arg1: memref<256x256xf32, #tpu.memory_space<vmem>>, %arg2: memref<1x256xf32, #tpu.memory_space<vmem>>, %arg3: memref<256x128xf32, #tpu.memory_space<vmem>>, %arg4: memref<1x128xf32, #tpu.memory_space<vmem>>, %arg5: memref<2048x128xf32, #tpu.memory_space<vmem>>) attributes {dimension_semantics = [], scalar_prefetch = 0 : i64, scratch_operands = 0 : i64, tpu.core_type = #tpu.core_type<tc>} {
    %get3A = arith.constant 0 : index
    %get3A_0 = arith.constant 0 : index
    %get3A_1 = vector.load %arg0[%get3A, %get3A_0] : memref<2048x256xf32, #tpu.memory_space<vmem>>, vector<2048x256xf32>
    %get3A_2 = arith.constant 0 : index
    %get3A_3 = arith.constant 0 : index
    %get3A_4 = vector.load %arg1[%get3A_2, %get3A_3] : memref<256x256xf32, #tpu.memory_space<vmem>>, vector<256x256xf32>
    %dot_general3A = arith.constant dense<0.000000e+00> : vector<2048x256xf32>
    %dot_general3A_5 = tpu.matmul %get3A_1, %get3A_4, %dot_general3A {dimension_numbers = #tpu.dot_dimension_numbers<[1], [0], [0], [1], [0, 0, 1, 1], [], []>, transpose_lhs_hint = false} : vector<2048x256xf32>, vector<256x256xf32>, vector<2048x256xf32> -> vector<2048x256xf32>
    %get3A_6 = arith.constant 0 : index
    %get3A_7 = arith.constant 0 : index
    %get3A_8 = vector.load %arg2[%get3A_6, %get3A_7] : memref<1x256xf32, #tpu.memory_space<vmem>>, vector<1x256xf32>
    %add3A = vector.broadcast %get3A_8 : vector<1x256xf32> to vector<2048x256xf32>
    %add3A_9 = arith.addf %dot_general3A_5, %add3A : vector<2048x256xf32>
    %max3A = arith.constant 0.000000e+00 : f32
    %max3A_10 = vector.broadcast %max3A : f32 to vector<2048x256xf32>
    %max3A_11 = arith.maximumf %add3A_9, %max3A_10 : vector<2048x256xf32>
    %get3A_12 = arith.constant 0 : index
    %get3A_13 = arith.constant 0 : index
    %get3A_14 = vector.load %arg3[%get3A_12, %get3A_13] : memref<256x128xf32, #tpu.memory_space<vmem>>, vector<256x128xf32>
    %dot_general3A_15 = arith.constant dense<0.000000e+00> : vector<2048x128xf32>
    %dot_general3A_16 = tpu.matmul %max3A_11, %get3A_14, %dot_general3A_15 {dimension_numbers = #tpu.dot_dimension_numbers<[1], [0], [0], [1], [0, 0, 1, 1], [], []>, transpose_lhs_hint = false} : vector<2048x256xf32>, vector<256x128xf32>, vector<2048x128xf32> -> vector<2048x128xf32>
    %get3A_17 = arith.constant 0 : index
    %get3A_18 = arith.constant 0 : index
    %get3A_19 = vector.load %arg4[%get3A_17, %get3A_18] : memref<1x128xf32, #tpu.memory_space<vmem>>, vector<1x128xf32>
    %add3A_20 = vector.broadcast %get3A_19 : vector<1x128xf32> to vector<2048x128xf32>
    %add3A_21 = arith.addf %dot_general3A_16, %add3A_20 : vector<2048x128xf32>
    %swap3A = arith.constant 0 : index
    %swap3A_22 = arith.constant 0 : index
    %swap3A_23 = vector.load %arg5[%swap3A, %swap3A_22] : memref<2048x128xf32, #tpu.memory_space<vmem>>, vector<2048x128xf32>
    tpu.vector_store %arg5[%swap3A, %swap3A_22], %add3A_21 {strides = array<i32>} : memref<2048x128xf32, #tpu.memory_space<vmem>>, vector<2048x128xf32>,
    return
  }
}

</mosaic_0001>

<sc_bundles>
// kernel: kernel.15.cloned.1.call-start
scs
__scs_entry_jumppad:
0x0: {  	(pc) =	sbr.rel $0x88, $3  }
0x1: {  	(tag) =	ssettag $0x0;
	lr =	simm.s32 $0x1  }
0x2: {  	[smem:$0x3F6A] =	sst lr;
	_ =	strace $0xD0000000  }
0x3: {  	_ = 	snop  }
0x4: {  	_ = 	snop  }
0x5: {  	_ = 	snop  }
0x6: {  	_ = 	snop  }
0x7: {  	_ = 	snop  }
__scs_overlays_trampoline_lowered:
0x8: {  	[smem:$0x3F79] =	sst s0  }
0x9: {  	[smem:$0x3F7A] =	sst s1  }
0xa: {  	[smem:$0x3F7B] =	sst s2  }
0xb: {  	[smem:$0x3F7C] =	sst s3  }
0xc: {  	[smem:$0x3F7D] =	sst s4  }
0xd: {  	[smem:$0x3F7E] =	sst s5  }
0xe: {  	[smem:$0x3F7F] =	sst s6  }
0xf: {  	[smem:$0x3F80] =	sst s7  }
0x10: {  	[smem:$0x3F81] =	sst s8  }
0x11: {  	[smem:$0x3F82] =	sst s9;
	s0 =	simm.s32 @!p0 $0x0  }
0x12: {  	s1 =	sld [smem:$0x3F68];
	s0 =	simm.s32 @p0 $0x1  }
0x13: {  	[smem:$0x3F83] =	sst s0;
	s0 =	simm.s32 @!p1 $0x0  }
0x14: {  	s2 =	sld [smem:$0x3F67];
	s0 =	simm.s32 @p1 $0x1  }
0x15: {  	[smem:$0x3F84] =	sst s0;
	s0 =	simm.s32 @!p2 $0x0  }
0x16: {  	s3 =	sld [smem:$0x3FDB];
	s0 =	simm.s32 @p2 $0x1  }
0x17: {  	s4 =	simm.s32 $0x1BF5;
	[smem:$0x3F86] =	sst s0  }
0x18: {  	s0 =	sld [smem:$0x3F69];
	_ =	swait.ge [sflag:s4], $0x0  }
0x19: {  	s7 =	sld [smem:$0x3F6A]  }
0x1a: {  	s8 =	sadd.s32 $0xFFFFE003, lr  }
0x1b: {  	s9 =	sadd.s32 $0xFFFFFEF7, lr;
	s5 =	simm.s32 $0xFFFFFFFF;
	p2 =	slt.u32 s8, $0xFFFFF086  }
0x1c: {  	p1 =	slt.u32 s9, $0xF7A;
	s5 =	simm.s32 @!p2 $0x0  }
0x1d: {  	s5 =	simm.s32 @p1 $0x1;
	p0 =	seq.s32 s7, s2  }
0x1e: {  	s7 =	smul.u32 @!p0 $0xF7A, s2;
	p2 =	seq.s32 @!p0 s5, $0x0  }
0x1f: {  	s9 =	smul.u32 $0xF7A, s1;
	s8 =	simm.s32 @!p0 $0x1BF5;
	p2 =	por !p2, p0  }
0x20: {  	[sflag:s8] =	ssyncset.s32 @!p0 $0xFFFFF086;
	s6 =	sadd.s32 @!p0 s3, s7;
	s7 =	simm.s32 @!p0 $0x108  }
0x21: {  	s3 =	sadd.s32 s3, s9;
	s6 =	sadd.s32 @!p0 $0x88, s6;
	s7 =	simm.s32 @p2 $0x1082  }
0x22: {  	[simem:s7], [sflag:s8] =	dma.local @!p0 [hbm:s6], $0xF7A  }
0x23: {  	s9 =	sor.u32 $0xD0000000, s2;
	s6 =	simm.s32 $0x108;
	_ =	swait.ge @!p0 [sflag:s8], $0x0  }
0x24: {  	s3 =	sadd.s32 $0x88, s3;
	s6 =	simm.s32 @!p1 $0x1082;
	[sflag:s4] =	ssyncset.s32 $0xFFFFF086  }
0x25: {  	[simem:s6], [sflag:s4] =	dma.local [hbm:s3], $0xF7A  }
0x26: {  	[smem:$0x3F6A] =	sst s1;
	(tag) =	ssettag s2;
	_ =	strace s9  }
0x27: {  	s1 =	sld [smem:$0x3F7A]  }
0x28: {  	s2 =	sld [smem:$0x3F7B]  }
0x29: {  	s4 =	sld [smem:$0x3F7D]  }
0x2a: {  	p0 =	seq.s32 s5, $0x0;
	s5 =	sld [smem:$0x3F7E]  }
0x2b: {  	s6 =	sld [smem:$0x3F7F]  }
0x2c: {  	s7 =	sld [smem:$0x3F80]  }
0x2d: {  	s3 =	simm.s32 $0x108;
	s8 =	sld [smem:$0x3F81]  }
0x2e: {  	s3 =	simm.s32 @!p0 $0x1082;
	s9 =	sld [smem:$0x3F82]  }
0x2f: {  	lr =	sadd.s32 s0, s3;
	s0 =	sld [smem:$0x3F79]  }
0x30: {  	s3 =	sld [smem:$0x3F7C]  }
0x31: {  	[smem:$0x3F85] =	sst s10  }
0x32: {  	s10 =	sld [smem:$0x3F83];
	_ =	sdelay $0x3  }
0x33: {  	p0 =	seq.s32 s10, $0x1;
	s10 =	sld [smem:$0x3F85];
	_ =	sdelay $0x3  }
0x34: {  	[smem:$0x3F85] =	sst s10  }
0x35: {  	s10 =	sld [smem:$0x3F84];
	_ =	sdelay $0x3  }
0x36: {  	p1 =	seq.s32 s10, $0x1;
	s10 =	sld [smem:$0x3F85];
	_ =	sdelay $0x3  }
0x37: {  	[smem:$0x3F85] =	sst s10  }
0x38: {  	s10 =	sld [smem:$0x3F86]  }
0x39: {  	_ = 	snop;
	(pc) =	sbr.ind lr, $3  }
0x3a: {  	_ = 	snop  }
0x3b: {  	_ = 	snop  }
0x3c: {  	p2 =	seq.s32 s10, $0x1;
	s10 =	sld [smem:$0x3F85]  }
0x3d: {  	_ =	shalt  }
0x3e: {  	_ =	shalt  }
0x3f: {  	_ =	shalt  }
0x40: {  	_ =	shalt  }
0x41: {  	_ =	shalt  }
0x42: {  	_ =	shalt  }
0x43: {  	_ =	shalt  }
0x44: {  	_ =	shalt  }
0x45: {  	_ =	shalt  }
0x46: {  	_ =	shalt  }
0x47: {  	_ =	shalt  }
0x48: {  	_ =	shalt  }
0x49: {  	_ =	shalt  }
0x4a: {  	_ =	shalt  }
0x4b: {  	_ =	shalt  }
0x4c: {  	_ =	shalt  }
0x4d: {  	_ =	shalt  }
0x4e: {  	_ =	shalt  }
0x4f: {  	_ =	shalt  }
0x50: {  	_ =	shalt  }
0x51: {  	_ =	shalt  }
0x52: {  	_ =	shalt  }
0x53: {  	_ =	shalt  }
0x54: {  	_ =	shalt  }
0x55: {  	_ =	shalt  }
0x56: {  	_ =	shalt  }
0x57: {  	_ =	shalt  }
0x58: {  	_ =	shalt  }
0x59: {  	_ =	shalt  }
0x5a: {  	_ =	shalt  }
0x5b: {  	_ =	shalt  }
0x5c: {  	_ =	shalt  }
0x5d: {  	_ =	shalt  }
0x5e: {  	_ =	shalt  }
0x5f: {  	_ =	shalt  }
0x60: {  	_ =	shalt  }
0x61: {  	_ =	shalt  }
0x62: {  	_ =	shalt  }
0x63: {  	_ =	shalt  }
0x64: {  	_ =	shalt  }
0x65: {  	_ =	shalt  }
0x66: {  	_ =	shalt  }
0x67: {  	_ =	shalt  }
0x68: {  	_ =	shalt  }
0x69: {  	_ =	shalt  }
0x6a: {  	_ =	shalt  }
0x6b: {  	_ =	shalt  }
0x6c: {  	_ =	shalt  }
0x6d: {  	_ =	shalt  }
0x6e: {  	_ =	shalt  }
0x6f: {  	_ =	shalt  }
0x70: {  	_ =	shalt  }
0x71: {  	_ =	shalt  }
0x72: {  	_ =	shalt  }
0x73: {  	_ =	shalt  }
0x74: {  	_ =	shalt  }
0x75: {  	_ =	shalt  }
0x76: {  	_ =	shalt  }
0x77: {  	_ =	shalt  }
0x78: {  	_ =	shalt  }
0x79: {  	_ =	shalt  }
0x7a: {  	_ =	shalt  }
0x7b: {  	_ =	shalt  }
0x7c: {  	_ =	shalt  }
0x7d: {  	_ =	shalt  }
0x7e: {  	_ =	shalt  }
0x7f: {  	_ =	shalt  }
0x80: {  	_ =	shalt  }
0x81: {  	_ =	shalt  }
0x82: {  	_ =	shalt  }
0x83: {  	_ =	shalt  }
0x84: {  	_ =	shalt  }
0x85: {  	_ =	shalt  }
0x86: {  	_ =	shalt  }
0x87: {  	_ =	shalt  }
.Lfunc_end0:
.L_simem_size_0:
called_computation_lowered:
.L_overlay_start_0:
0x88: {  	s2 =	sld [smem:$0x3FD9]  }
0x89: {  	s3 =	sld [smem:$0x3FFE];
	_ =	sdelay $0x1  }
0x8a: {  	s1 =	srdreg.scid  }
0x8b: {  	s0 =	sand.u32 $0x1, s1  }
0x8c: {  	s16 =	sshll.u32 s0, $0xA;
	s2 =	sadd.s32 s3, s2  }
0x8d: {  	s2 =	sadd.s32 s2, s16  }
0x8e: {  	[smem:$0x3F91] =	sst s2  }
0x8f: {  	_ = 	snop  }
0x90: {  	(tm) =	ssettm $0x1  }
0x91: {  	s17 =	sld [smem:$0x3FFB];
	_ =	sdelay $0x3  }
0x92: {  	_ =	strace s17  }
0x93: {  	s2 =	sld [smem:$0x3FFC];
	_ =	sdelay $0x3  }
0x94: {  	_ =	strace s2  }
0x95: {  	s2 =	sld [smem:$0x3FFD];
	_ =	sdelay $0x3  }
0x96: {  	_ =	strace s2  }
0x97: {  	_ =	strace $0x8FFFFFFF  }
0x98: {  	s18 =	sld [smem:$0x3FDB];
	_ =	sdelay $0x1  }
0x99: {  	s19 =	simm.s32 $_scs_section_size  }
0x9a: {  	s4 =	simm.s32 $_size__tile_overlayer_lowered;
	s5 =	simm.s32 $_tile_overlayer_lowered  }
0x9b: {  	s22 =	simm.s32 $0x1BFF;
	s21 =	sshll.u32 s5, $0x1;
	s2 =	sadd.s32 s19, s18  }
0x9c: {  	s6 =	simm.s32 $0x0;
	s20 =	sshll.u32 s4, $0x1;
	s4 =	sadd.s32 s21, s2  }
0x9d: {  	[timem:s6], [sflag:s22] =	dma.local [hbm:s4], s20  }
0x9e: {  	_ =	swait.ge [sflag:s22], s20  }
0x9f: {  	s3 =	ssub.s32 $0x0, s20;
	[sflag:s22] =	ssyncset.done $0x0  }
0xa0: {  	[sflag:s22] =	ssyncadd.s32 s3;
	_ =	sdelay $0x1  }
0xa1: {  	s23 =	simm.s32 $0x1B8B  }
0xa2: {  	_ =	swait.ge [sflag:s23], $0x1  }
0xa3: {  	[sflag:s23] =	ssyncset.done $0x0  }
0xa4: {  	s25 =	simm.s32 $0x1B8E;
	s24 =	sld [smem:$0x3FFE];
	[sflag:s23] =	ssyncadd.s32 $0xFFFFFFFF  }
0xa5: {  	s26 =	simm.s32 $execute0_lowered;
	[smem:$0x3FD2] =	sst s25  }
0xa6: {  	s4 =	sshll.u32 s26, $0x1;
	_ =	strace $0x80000046;
	[dreg:$0x1] =	wrdreg $0xFFFFFFFF  }
0xa7: {  	s28 =	simm.s32 $_size_execute0_lowered;
	s2 =	sadd.s32 s2, s4;
	[dreg:$0x0] =	wrdreg $0x0  }
0xa8: {  	s4 =	sshll.u32 s28, $0x1;
	[dreg:$0x2] =	wrdreg s2  }
0xa9: {  	[dreg:$0x3] =	wrdreg s4  }
0xaa: {  	[dreg:$0x4] =	wrdreg $0xC0  }
0xab: {  	_ =	task [dreg:s6], $0x5FFFF  }
0xac: {  	[dreg:$0x1] =	wrdreg $0xFFFFFFFF  }
0xad: {  	[dreg:$0x0] =	wrdreg $0x60  }
0xae: {  	[dreg:$0x2] =	wrdreg s24  }
0xaf: {  	[dreg:$0x3] =	wrdreg $0x9  }
0xb0: {  	_ =	task.clear_ibuf [dreg:s6], $0x4FFFF;
	_ =	strace $0x90000046  }
0xb1: {  	s29 =	simm.s32 $0x9;
	_ =	strace $0x80000048  }
0xb2: {  	_ =	swait.ge [sflag:s29], $0x1  }
0xb3: {  	[sflag:s29] =	ssyncadd.s32 $0xFFFFFFFF  }
0xb4: {  	_ =	strace $0x90000048  }
0xb5: {  	_ =	sfence  }
0xb6: {  	s30 =	sld [smem:$0x0];
	_ =	sdelay $0x2  }
0xb7: {  	s31 =	sshll.u32 s1, $0xD;
	s1 =	sshrl.u32 s1, $0x2  }
0xb8: {  	s3 =	sand.u32 $0x4000, s31;
	s1 =	sadd.s32 s1, s30  }
0xb9: {  	s0 =	sor.u32 s3, s0;
	s1 =	sshll.u32 s1, $0x11  }
0xba: {  	s0 =	sor.u32 s1, s0  }
0xbb: {  	s0 =	sadd.s32 $0x8F2B, s0  }
0xbc: {  	[sflag:s0] =	ssyncadd.remote.s32 $0x1  }
0xbd: {  	_ =	sfence.sel $0xFFFF  }
0xbe: {  	[dreg:$0x0] =	wrdreg $0xFFFFFFFF;
	(pc) =	sbr.abs _section_cstart, $3  }
0xbf: {  	[dreg:$0x1] =	wrdreg $0xFFFFFFFF  }
0xc0: {  	_ =	task.clear_ibuf [dreg:s6], $0x2FFFF;
	_ =	strace $0x9FFFFFFF  }
0xc1: {  	(tm) =	ssettm $0x7FFFFFFF  }
tec
execute0_lowered:
.L_overlay_start_1:
0x0: {  	(tag) =	ssettag $0x1  }
0x1: {  	s0 =	rddreg [dreg:$0x0]  }
0x2: {  	s1 =	srdreg.scid;
	s3 =	stileid.u32;
	s2 =	simm.s32 $0x0  }
0x3: {  	s21 =	simm.s32 $0x80;
	s22 =	simm.s32 $0x400;
	s23 =	simm.s32 $0x1  }
0x4: {  	s31 =	simm.s32 $0x0;
	[smem:$0x7FF] =	sst s2;
	s6 =	sadd.s32 $0x9A00, s0  }
0x5: {  	s25 =	sadd.s32 $0x9A10, s0;
	_ =	strace $0x80000047;
	[dreg:$0x2] =	wrdreg s6  }
0x6: {  	s1 =	sand.u32 $0x1, s1;
	s26 =	sadd.s32 $0x9A20, s0;
	[dreg:$0x3] =	wrdreg s25  }
0x7: {  	s3 =	sshll.u32 s3, $0x1;
	s28 =	sadd.s32 $0x9A30, s0;
	[dreg:$0x4] =	wrdreg s26  }
0x8: {  	s29 =	sadd.s32 $0x9A40, s0;
	s3 =	sor.u32 s1, s3;
	[dreg:$0x5] =	wrdreg s28  }
0x9: {  	s1 =	ssub.s32 $0x2, s1;
	[dreg:$0x6] =	wrdreg s29;
	s4 =	sshll.u32 s3, $0x8  }
0xa: {  	s5 =	sshrl.u32 s1, $0x1;
	s4 =	sadd.s32 s4, s0;
	s0 =	sadd.s32 $0x9A50, s0  }
0xb: {  	s9 =	sshll.u32 s3, $0x6;
	s1 =	ssub.s32 s1, s5;
	[dreg:$0x7] =	wrdreg s0  }
0xc: {  	s30 =	sadd.s32 $0x1C200, s4;
	s11 =	sadd.s32 $0x1A200, s4;
	s12 =	sadd.s32 $0xA200, s4  }
0xd: {  	s13 =	sadd.s32 $0xC200, s4;
	s14 =	sadd.s32 $0xE200, s4;
	s15 =	sadd.s32 $0x10200, s4  }
0xe: {  	s16 =	sadd.s32 $0x12200, s4;
	s17 =	sadd.s32 $0x14200, s4;
	s18 =	sadd.s32 $0x16200, s4  }
0xf: {  	v0 =	vimm.s32 $0x0;
	v1 =	vimm.f32 $0.0e+00;
	v2 =	vlaneseq.u32;
	s19 =	sadd.s32 $0x18200, s4;
	s20 =	smax.u32 s1, $0x1;
	[dreg:$0x8] =	wrdreg s30  }
.LBB2_1:
0x10: {  	s0 =	rddreg [dreg:$0x2]  }
0x11: {  	[tilespmem:s2], [sflag:$0x1] =	stream.strided.gather [hbm4b:s0+s21], $0x800, s22, s21, $0x38;
	[tilespmem:$0x8500] =	vst v63  }
0x12: {  	_ =	swait.ge [sflag:s23], $0x800  }
0x13: {  	[sflag:s23] =	ssyncset.done $0x0  }
0x14: {  	s1 =	simm.s32 $0x800;
	s7 =	rddreg [dreg:$0x3];
	[sflag:s23] =	ssyncadd.s32 $0xFFFFF800  }
0x15: {  	[tilespmem:s1], [sflag:$0x1] =	stream.strided.gather [hbm4b:s7+s21], $0x800, s22, s21, $0x38;
	[tilespmem:$0x8500] =	vst v63  }
0x16: {  	_ =	swait.ge [sflag:s23], $0x800  }
0x17: {  	[sflag:s23] =	ssyncset.done $0x0  }
0x18: {  	s10 =	simm.s32 $0x1000;
	s8 =	rddreg [dreg:$0x4];
	[sflag:s23] =	ssyncadd.s32 $0xFFFFF800  }
0x19: {  	[tilespmem:s10], [sflag:$0x1] =	stream.strided.gather [hbm4b:s8+s21], $0x800, s22, s21, $0x38;
	[tilespmem:$0x8500] =	vst v63  }
0x1a: {  	_ =	swait.ge [sflag:s23], $0x800  }
0x1b: {  	[sflag:s23] =	ssyncset.done $0x0  }
0x1c: {  	s25 =	simm.s32 $0x1800;
	s24 =	rddreg [dreg:$0x5];
	[sflag:s23] =	ssyncadd.s32 $0xFFFFF800  }
0x1d: {  	[tilespmem:s25], [sflag:$0x1] =	stream.strided.gather [hbm4b:s24+s21], $0x800, s22, s21, $0x38;
	[tilespmem:$0x8500] =	vst v63  }
0x1e: {  	_ =	swait.ge [sflag:s23], $0x800  }
0x1f: {  	[sflag:s23] =	ssyncset.done $0x0  }
0x20: {  	s28 =	simm.s32 $0x2000;
	s26 =	rddreg [dreg:$0x6];
	[sflag:s23] =	ssyncadd.s32 $0xFFFFF800  }
0x21: {  	[tilespmem:s28], [sflag:$0x1] =	stream.strided.gather [hbm4b:s26+s21], $0x800, s22, s21, $0x38;
	[tilespmem:$0x8500] =	vst v63  }
0x22: {  	_ =	swait.ge [sflag:s23], $0x800  }
0x23: {  	[sflag:s23] =	ssyncset.done $0x0  }
0x24: {  	s30 =	simm.s32 $0x2800;
	s29 =	rddreg [dreg:$0x7];
	[sflag:s23] =	ssyncadd.s32 $0xFFFFF800  }
0x25: {  	[tilespmem:s30], [sflag:$0x1] =	stream.strided.gather [hbm4b:s29+s21], $0x800, s22, s21, $0x38;
	[tilespmem:$0x8500] =	vst v63  }
0x26: {  	_ =	swait.ge [sflag:s23], $0x800  }
0x27: {  	[sflag:s23] =	ssyncset.done $0x0  }
0x28: {  	s0 =	simm.s32 $0x40;
	s1 =	simm.s32 $0x0;
	[sflag:s23] =	ssyncadd.s32 $0xFFFFF800  }
.LBB2_2:
0x29: {  	p0 =	sne.s32 s0, $0x2000;
	[tilespmem:s1+$0x7C80] =	vst v1  }
0x2a: {  	[tilespmem:s1+$0x3000] =	vst v0  }
0x2b: {  	[tilespmem:s1+$0x3880] =	vst v0  }
0x2c: {  	[tilespmem:s1+$0x4100] =	vst v1  }
0x2d: {  	[tilespmem:s1+$0x4980] =	vst v1  }
.Ltmp0:
0x2e: {  	[tilespmem:s1+$0x5200] =	vst v1;
	(pc) =	sbr.rel @p0 .LBB2_2-.Ltmp0, $4  }
0x2f: {  	[tilespmem:s1+$0x5A80] =	vst v1  }
0x30: {  	[tilespmem:s1+$0x6300] =	vst v1  }
0x31: {  	[tilespmem:s1+$0x6B80] =	vst v1  }
0x32: {  	[tilespmem:s1+$0x7400] =	vst v1;
	s1 =	sshra.s32 s0, $0x2;
	s0 =	sadd.s32 $0x40, s0  }
0x33: {  	[tilespmem:s1+$0x7C80] =	vst v1  }
0x34: {  	[tilespmem:s1+$0x3000] =	vst v0  }
0x35: {  	[tilespmem:s1+$0x3880] =	vst v0  }
0x36: {  	[tilespmem:s1+$0x4100] =	vst v1  }
0x37: {  	[tilespmem:s1+$0x4980] =	vst v1  }
0x38: {  	[tilespmem:s1+$0x5200] =	vst v1  }
0x39: {  	[tilespmem:s1+$0x5A80] =	vst v1  }
0x3a: {  	[tilespmem:s1+$0x6300] =	vst v1  }
0x3b: {  	[tilespmem:s1+$0x6B80] =	vst v1  }
0x3c: {  	s0 =	simm.s32 $0x0;
	[tilespmem:s1+$0x7400] =	vst v1;
	s28 =	simm.s32 $0x0;
	s1 =	simm.s32 $0x0  }
.LBB2_4:
0x3d: {  	s3 =	sadd.s32 s9, s1  }
0x3e: {  	v3 =	vmov s3;
	_ =	sdelay $0x2  }
0x3f: {  	s25 =	simm.s32 $0x800;
	v7 =	vld [tilespmem:s0+$0x0]  }
0x40: {  	v8 =	vld [tilespmem:s25+$0x0]  }
0x41: {  	v4 =	vld.idx.msk [tilespmem:v3+s0+$0x0], $0xffff  }
0x42: {  	s24 =	simm.s32 $0x1000;
	v5 =	vld.idx.msk [tilespmem:v3+s25+$0x0], $0xffff  }
0x43: {  	v9 =	vld [tilespmem:s24+$0x0]  }
0x44: {  	v6 =	vld.idx.msk [tilespmem:v3+s24+$0x0], $0xffff;
	_ =	sdelay $0x2  }
0x45: {  	v7 =	vsub.f32 v4, v7;
	v8 =	vsub.f32 v5, v8;
	_ =	sdelay $0x1  }
0x46: {  	v9 =	vsub.f32 v6, v9;
	v10 =	vmul.f32 v7, v7;
	v11 =	vmul.f32 v8, v8;
	_ =	sdelay $0x1  }
0x47: {  	v10 =	vadd.f32 v11, v10;
	v11 =	vmul.f32 v9, v9;
	_ =	sdelay $0x1  }
0x48: {  	v10 =	vadd.f32 v11, v10  }
0x49: {  	v11 =	vor.u32 s0, v2  }
0x4a: {  	vm1 =	vne.s32 v11, v3;
	vm0 =	vlt.f32 v10, $2.500000000e+01  }
0x4b: {  	vm0 =	vmand vm1, vm0  }
0x4c: {  	v12 =	vmpcnt.ones.xlane vm0;
	_ =	sdelay $0x1  }
0x4d: {  	v12 =	vxor.u32 $0x80000000, v12  }
0x4e: {  	(xrf0) =	vmax.scan.msk.u32 $0xffff, v12;
	_ =	sdelay $0x5  }
0x4f: {  	v12, _, _ =	vpop (xrf0)  }
0x50: {  	(v2sf) =	vpush v12, $0xF;
	_ =	sdelay $0xe  }
0x51: {  	s26 =	spop (v2sf)  }
0x52: {  	p0 =	sgt.s32 s28, $0x7F0;
	s3 =	sxor.u32 $0x80000000, s26  }
0x53: {  	p2 =	slt.s32 @!p0 s3, $0x1  }
0x54: {  	s4 =	simm.s32 $0x2800;
	p1 =	por p2, p0  }
0x55: {  	s5 =	simm.s32 $0x2000;
	v12 =	vld @!p1 [tilespmem:s4+$0x0]  }
0x56: {  	s4 =	simm.s32 $0x1800;
	v13 =	vld @!p1 [tilespmem:s5+$0x0]  }
0x57: {  	s5 =	simm.s32 @!p1 $0x2000;
	v14 =	vld @!p1 [tilespmem:s4+$0x0]  }
0x58: {  	s4 =	simm.s32 @!p1 $0x1800;
	v15 =	vld.idx.msk @!p1 [tilespmem:v3+s5+$0x0], $0xffff  }
0x59: {  	s5 =	simm.s32 @!p1 $0x2800;
	v16 =	vld.idx.msk @!p1 [tilespmem:v3+s4+$0x0], $0xffff  }
0x5a: {  	v17 =	vld.idx.msk @!p1 [tilespmem:v3+s5+$0x0], $0xffff;
	[tilespmem:s28+$0x3000] =	vst.msk @!p1 vm0, v11  }
0x5b: {  	p2 =	por !p2, p0;
	[tilespmem:s28+$0x3880] =	vst.msk @!p1 vm0, v3  }
0x5c: {  	s29 =	simm.s32 $0x2810;
	s3 =	simm.s32 @!p2 $0x0;
	[tilespmem:s28+$0x4100] =	vst.msk @!p1 vm0, v7  }
0x5d: {  	s30 =	simm.s32 $0x1010;
	s24 =	smov.u32 s28;
	s3 =	simm.s32 @p0 $0x0;
	[tilespmem:s28+$0x4980] =	vst.msk @!p1 vm0, v8  }
0x5e: {  	s26 =	simm.s32 $0x10;
	s6 =	sadd.s32 s28, s3;
	s3 =	simm.s32 $0x1810;
	[tilespmem:s28+$0x5200] =	vst.msk @!p1 vm0, v9;
	v7 =	vsub.f32 @!p1 v15, v13  }
0x5f: {  	s4 =	simm.s32 $0x2010;
	s5 =	simm.s32 $0x0;
	[tilespmem:s28+$0x5A80] =	vst.msk @!p1 vm0, v10;
	v9 =	vsub.f32 @!p1 v16, v14;
	v8 =	vsub.f32 @!p1 v17, v12;
	s28 =	smov.u32 s6  }
.LBB2_5:
0x60: {  	s5 =	sadd.s32 $0x10, s5  }
0x61: {  	[tilespmem:s24+$0x6300] =	vst.msk @!p1 vm0, v9;
	s25 =	sadd.s32 $0x10, s25;
	s6 =	smov.u32 s26;
	s26 =	sadd.s32 $0x10, s26  }
0x62: {  	p0 =	sne.s32 s26, $0x800;
	[tilespmem:s24+$0x6B80] =	vst.msk @!p1 vm0, v7  }
0x63: {  	v7 =	vimm.f32 @!p1 $1.000000000e+00;
	[tilespmem:s24+$0x7400] =	vst.msk @!p1 vm0, v8  }
0x64: {  	[tilespmem:s24+$0x7C80] =	vst.msk @!p1 vm0, v7;
	s24 =	smov.u32 s28  }
0x65: {  	v7 =	vld [tilespmem:s5+$0x0]  }
0x66: {  	v8 =	vld [tilespmem:s25+$0x0];
	_ =	sdelay $0x1  }
0x67: {  	v9 =	vld [tilespmem:s30+$0x0];
	_ =	sdelay $0x2  }
0x68: {  	v7 =	vsub.f32 v4, v7;
	v8 =	vsub.f32 v5, v8;
	_ =	sdelay $0x1  }
0x69: {  	v10 =	vsub.f32 v6, v9;
	v9 =	vmul.f32 v7, v7;
	v11 =	vmul.f32 v8, v8;
	_ =	sdelay $0x1  }
0x6a: {  	v9 =	vadd.f32 v11, v9;
	v11 =	vmul.f32 v10, v10;
	_ =	sdelay $0x1  }
0x6b: {  	v11 =	vadd.f32 v11, v9  }
0x6c: {  	v9 =	vor.u32 s6, v2  }
0x6d: {  	vm1 =	vne.s32 v9, v3;
	vm0 =	vlt.f32 v11, $2.500000000e+01  }
0x6e: {  	vm0 =	vmand vm1, vm0  }
0x6f: {  	v12 =	vmpcnt.ones.xlane vm0;
	_ =	sdelay $0x1  }
0x70: {  	v12 =	vxor.u32 $0x80000000, v12  }
0x71: {  	(xrf0) =	vmax.scan.msk.u32 $0xffff, v12;
	_ =	sdelay $0x5  }
0x72: {  	v12, _, _ =	vpop (xrf0)  }
0x73: {  	(v2sf) =	vpush v12, $0xF;
	_ =	sdelay $0xe  }
0x74: {  	s6 =	spop (v2sf)  }
0x75: {  	p2 =	sgt.s32 s28, $0x7F0;
	s6 =	sxor.u32 $0x80000000, s6  }
0x76: {  	p3 =	slt.s32 @!p2 s6, $0x1  }
0x77: {  	p1 =	por p3, p2;
	p3 =	por !p3, p2  }
0x78: {  	s7 =	simm.s32 @!p1 $0x1800;
	s8 =	simm.s32 @!p1 $0x2000;
	s10 =	simm.s32 @!p1 $0x2800;
	v12 =	vld @!p1 [tilespmem:s29+$0x0]  }
0x79: {  	s6 =	simm.s32 @!p3 $0x0;
	v13 =	vld @!p1 [tilespmem:s4+$0x0]  }
0x7a: {  	s6 =	simm.s32 @p2 $0x0;
	v14 =	vld @!p1 [tilespmem:s3+$0x0]  }
0x7b: {  	s28 =	sadd.s32 s28, s6;
	v15 =	vld.idx.msk @!p1 [tilespmem:v3+s8+$0x0], $0xffff  }
0x7c: {  	v16 =	vld.idx.msk @!p1 [tilespmem:v3+s7+$0x0], $0xffff  }
0x7d: {  	v17 =	vld.idx.msk @!p1 [tilespmem:v3+s10+$0x0], $0xffff  }
0x7e: {  	[tilespmem:s24+$0x3000] =	vst.msk @!p1 vm0, v9  }
.Ltmp1:
0x7f: {  	[tilespmem:s24+$0x3880] =	vst.msk @!p1 vm0, v3;
	(pc) =	sbr.rel @p0 .LBB2_5-.Ltmp1, $4  }
0x80: {  	[tilespmem:s24+$0x4100] =	vst.msk @!p1 vm0, v7  }
0x81: {  	v7 =	vsub.f32 @!p1 v15, v13;
	[tilespmem:s24+$0x4980] =	vst.msk @!p1 vm0, v8  }
0x82: {  	s29 =	sadd.s32 $0x10, s29;
	v9 =	vsub.f32 @!p1 v16, v14;
	[tilespmem:s24+$0x5200] =	vst.msk @!p1 vm0, v10  }
0x83: {  	s30 =	sadd.s32 $0x10, s30;
	s4 =	sadd.s32 $0x10, s4;
	s3 =	sadd.s32 $0x10, s3;
	v8 =	vsub.f32 @!p1 v17, v12;
	[tilespmem:s24+$0x5A80] =	vst.msk @!p1 vm0, v11  }
0x84: {  	s1 =	sadd.s32 $0x1, s1  }
0x85: {  	p0 =	sne.s32 s1, $0x40  }
.Ltmp2:
0x86: {  	_ = 	snop;
	(pc) =	sbr.rel @p0 .LBB2_4-.Ltmp2, $4  }
0x87: {  	[tilespmem:s24+$0x6300] =	vst.msk @!p1 vm0, v9  }
0x88: {  	[tilespmem:s24+$0x6B80] =	vst.msk @!p1 vm0, v7  }
0x89: {  	v3 =	vimm.f32 @!p1 $1.000000000e+00;
	[tilespmem:s24+$0x7400] =	vst.msk @!p1 vm0, v8  }
0x8a: {  	[tilespmem:s24+$0x7C80] =	vst.msk @!p1 vm0, v3  }
0x8b: {  	s0 =	rddreg [dreg:$0x8];
	s1 =	simm.s32 $0x3000  }
0x8c: {  	[hbm4b:s0+s2] =	stream.linear.scatter [tilespmem:s1], [sflag:$0x1], $0x800, $0x38;
	[tilespmem:$0x8500] =	vst v63  }
0x8d: {  	_ =	swait.ge [sflag:s23], $0x800  }
0x8e: {  	[sflag:s23] =	ssyncset.done $0x0  }
0x8f: {  	s7 =	simm.s32 $0x3880;
	[sflag:s23] =	ssyncadd.s32 $0xFFFFF800  }
0x90: {  	[hbm4b:s11+s2] =	stream.linear.scatter [tilespmem:s7], [sflag:$0x1], $0x800, $0x38;
	[tilespmem:$0x8500] =	vst v63  }
0x91: {  	_ =	swait.ge [sflag:s23], $0x800  }
0x92: {  	[sflag:s23] =	ssyncset.done $0x0  }
0x93: {  	s8 =	simm.s32 $0x4100;
	[sflag:s23] =	ssyncadd.s32 $0xFFFFF800  }
0x94: {  	[hbm4b:s12+s2] =	stream.linear.scatter [tilespmem:s8], [sflag:$0x1], $0x800, $0x38;
	[tilespmem:$0x8500] =	vst v63  }
0x95: {  	_ =	swait.ge [sflag:s23], $0x800  }
0x96: {  	[sflag:s23] =	ssyncset.done $0x0  }
0x97: {  	s10 =	simm.s32 $0x4980;
	[sflag:s23] =	ssyncadd.s32 $0xFFFFF800  }
0x98: {  	[hbm4b:s13+s2] =	stream.linear.scatter [tilespmem:s10], [sflag:$0x1], $0x800, $0x38;
	[tilespmem:$0x8500] =	vst v63  }
0x99: {  	_ =	swait.ge [sflag:s23], $0x800  }
0x9a: {  	[sflag:s23] =	ssyncset.done $0x0  }
0x9b: {  	s24 =	simm.s32 $0x5200;
	[sflag:s23] =	ssyncadd.s32 $0xFFFFF800  }
0x9c: {  	[hbm4b:s14+s2] =	stream.linear.scatter [tilespmem:s24], [sflag:$0x1], $0x800, $0x38;
	[tilespmem:$0x8500] =	vst v63  }
0x9d: {  	_ =	swait.ge [sflag:s23], $0x800  }
0x9e: {  	[sflag:s23] =	ssyncset.done $0x0  }
0x9f: {  	s25 =	simm.s32 $0x5A80;
	[sflag:s23] =	ssyncadd.s32 $0xFFFFF800  }
0xa0: {  	[hbm4b:s15+s2] =	stream.linear.scatter [tilespmem:s25], [sflag:$0x1], $0x800, $0x38;
	[tilespmem:$0x8500] =	vst v63  }
0xa1: {  	_ =	swait.ge [sflag:s23], $0x800  }
0xa2: {  	[sflag:s23] =	ssyncset.done $0x0  }
0xa3: {  	s26 =	simm.s32 $0x6300;
	[sflag:s23] =	ssyncadd.s32 $0xFFFFF800  }
0xa4: {  	[hbm4b:s16+s2] =	stream.linear.scatter [tilespmem:s26], [sflag:$0x1], $0x800, $0x38;
	[tilespmem:$0x8500] =	vst v63  }
0xa5: {  	_ =	swait.ge [sflag:s23], $0x800  }
0xa6: {  	[sflag:s23] =	ssyncset.done $0x0  }
0xa7: {  	s28 =	simm.s32 $0x6B80;
	[sflag:s23] =	ssyncadd.s32 $0xFFFFF800  }
0xa8: {  	[hbm4b:s17+s2] =	stream.linear.scatter [tilespmem:s28], [sflag:$0x1], $0x800, $0x38;
	[tilespmem:$0x8500] =	vst v63  }
0xa9: {  	_ =	swait.ge [sflag:s23], $0x800  }
0xaa: {  	[sflag:s23] =	ssyncset.done $0x0  }
0xab: {  	s29 =	simm.s32 $0x7400;
	[sflag:s23] =	ssyncadd.s32 $0xFFFFF800  }
0xac: {  	[hbm4b:s18+s2] =	stream.linear.scatter [tilespmem:s29], [sflag:$0x1], $0x800, $0x38;
	[tilespmem:$0x8500] =	vst v63  }
0xad: {  	s31 =	sadd.s32 $0x1, s31;
	_ =	swait.ge [sflag:s23], $0x800  }
0xae: {  	p0 =	sne.s32 s31, s20;
	[sflag:s23] =	ssyncset.done $0x0  }
.Ltmp3:
0xaf: {  	s30 =	simm.s32 $0x7C80;
	[sflag:s23] =	ssyncadd.s32 $0xFFFFF800;
	(pc) =	sbr.rel @p0 .LBB2_1-.Ltmp3, $4  }
0xb0: {  	[hbm4b:s19+s2] =	stream.linear.scatter [tilespmem:s30], [sflag:$0x1], $0x800, $0x38;
	[tilespmem:$0x8500] =	vst v63  }
0xb1: {  	_ =	swait.ge [sflag:s23], $0x800  }
0xb2: {  	[sflag:s23] =	ssyncset.done $0x0  }
0xb3: {  	[sflag:s23] =	ssyncadd.s32 $0xFFFFF800  }
0xb4: {  	_ =	sfence.sel $0x180000  }
0xb5: {  	[bflag:$0x0] =	sbarrier.arrive $0xFFFF  }
0xb6: {  	_ =	strace $0x90000047  }
0xb7: {  	s0 =	stileid.u32;
	[bflag:$0x2] =	sbarrier.arrive $0xFFFF  }
0xb8: {  	p0 =	sne.s32 s0, $0x0;
	s0 =	rddreg [dreg:$0x1]  }
0xb9: {  	s0 =	sadd.s32 @!p0 $0x100000, s0  }
0xba: {  	[sflag:s0] =	ssyncadd.tile.s32 @!p0 $0x1;
	_ =	shalt  }
.Lfunc_end2:
_tile_overlayer_lowered:
.L_overlay_start_2:
0xbb: {  	(tag) =	ssettag $0x2  }
0xbc: {  	s0 =	rddreg [dreg:$0x0];
	s2 =	stileid.u32  }
0xbd: {  	s1 =	rddreg [dreg:$0x1];
	p0 =	sne.s32 s2, $0x0  }
0xbe: {  	s3 =	rddreg [dreg:$0x2];
	[bflag:$0x3] =	sbarrier.arrive $0xFFFF;
	s2 =	simm.s32 @!p0 $0x1C01  }
0xbf: {  	[timem:s3], [sflag:s2] =	dma.local @!p0 [hbm:s0], s1  }
0xc0: {  	s0 =	simm.s32 @!p0 $0x1  }
0xc1: {  	_ =	swait.ge @!p0 [sflag:s0], s1  }
0xc2: {  	s1 =	ssub.s32 @!p0 $0x0, s1;
	[sflag:s0] =	ssyncset.done @!p0 $0x0  }
0xc3: {  	[sflag:s0] =	ssyncadd.s32 @!p0 s1  }
0xc4: {  	[bflag:$0x3] =	sbarrier.arrive $0xFFFF  }
0xc5: {  	_ =	shalt  }

</sc_bundles>
